<compile_context>
chip_gen: v7x
topology: tpu7x:2x2x1
jax: 0.10.2.dev20260603
libtpu: 0.0.44.dev20260713+nightly
codegen_flags: <defaults>
</compile_context>

<pallas_src>
import functools

import jax
import jax.numpy as jnp
from jax import lax
from jax.experimental import pallas as pl
from jax.experimental.pallas import tpu as pltpu
from jax.experimental.pallas import tpu_sc as plsc

BATCH = 16384
DIM = 32
LANES = 16
NUM_CORES = 2
NUM_SUBCORES = 16
NW = NUM_CORES * NUM_SUBCORES
BPW = BATCH // NW
CHUNK = 128
NCHUNK = BPW // CHUNK
GROUPS = BPW // LANES

_MESH = plsc.VectorSubcoreMesh(core_axis_name="c", subcore_axis_name="s")


def _rsqrt_newton(x):
    i = plsc.bitcast(x, jnp.int32)
    i = jnp.int32(0x5F3759DF) - (i >> 1)
    y = plsc.bitcast(i, jnp.float32)
    half_x = 0.5 * x
    for _ in range(3):
        y = y * (1.5 - half_x * y * y)
    return y


@functools.partial(
    pl.kernel,
    mesh=_MESH,
    compiler_params=pltpu.CompilerParams(
        needs_layout_passes=False, use_tc_tiling_on_sc=False),
    out_type=jax.ShapeDtypeStruct((BATCH,), jnp.float32),
    scratch_types=[
        pltpu.VMEM((NCHUNK, CHUNK), jnp.int32),
        pltpu.VMEM((NCHUNK, CHUNK), jnp.int32),
        pltpu.VMEM((BPW, DIM), jnp.float32),
        pltpu.VMEM((BPW, DIM), jnp.float32),
        pltpu.VMEM((BPW,), jnp.float32),
        pltpu.SemaphoreType.DMA,
    ],
)
def _als_sc(u_hbm, v_hbm, users_hbm, items_hbm, out_hbm,
            uidx, vidx, urows, vrows, out_v, sem):
    wid = lax.axis_index("s") * NUM_CORES + lax.axis_index("c")
    base = wid * BPW

    for j in range(NCHUNK):
        pltpu.sync_copy(u_hbm.at[pl.ds(base + j * CHUNK, CHUNK)], uidx.at[j])
        pltpu.sync_copy(v_hbm.at[pl.ds(base + j * CHUNK, CHUNK)], vidx.at[j])

    copies = []
    for j in range(NCHUNK):
        copies.append(pltpu.async_copy(
            users_hbm.at[uidx.at[j]], urows.at[pl.ds(j * CHUNK, CHUNK)], sem))
        copies.append(pltpu.async_copy(
            items_hbm.at[vidx.at[j]], vrows.at[pl.ds(j * CHUNK, CHUNK)], sem))
    for c in copies:
        c.wait()

    iota = lax.iota(jnp.int32, LANES)

    def group_body(g, _):
        rows_v = g * LANES + iota
        nu = jnp.zeros((LANES,), jnp.float32)
        nv = jnp.zeros((LANES,), jnp.float32)
        dot = jnp.zeros((LANES,), jnp.float32)
        for d in range(DIM):
            d_v = jnp.full((LANES,), d, jnp.int32)
            ud = plsc.load_gather(urows, [rows_v, d_v])
            vd = plsc.load_gather(vrows, [rows_v, d_v])
            nu = nu + ud * ud
            nv = nv + vd * vd
            dot = dot + ud * vd
        su = jnp.minimum(1.0, _rsqrt_newton(nu))
        sv = jnp.minimum(1.0, _rsqrt_newton(nv))
        x = dot * su * sv
        logit = 1.0 / (1.0 + jnp.exp(-x))
        out_v[pl.ds(g * LANES, LANES)] = logit
        return 0

    lax.fori_loop(0, GROUPS, group_body, 0)

    pltpu.sync_copy(out_v, out_hbm.at[pl.ds(base, BPW)])


def kernel(u, v, users, items):
    users_r = users.astype(jnp.bfloat16).astype(jnp.float32)
    items_r = items.astype(jnp.bfloat16).astype(jnp.float32)
    return _als_sc(u, v, users_r, items_r)

# --- scband reference (transcript-rebuilt; emitter-appended) ---
"""Pipeline reference for scband-als-27522150433296 (READ-ONLY COPY).

The authoritative reference and input builder live on the scoring server;
editing this copy changes nothing except your own understanding.
"""

import jax, jax.numpy as jnp
import numpy as np

N_USERS = 1000000
N_ITEMS = 1000000
DIM = 32
BATCH = 16384


def _lookup_maxnorm(table, idx, max_norm=1.0):
    # nn.Embedding(max_norm=1): looked-up rows are renormalized so their
    # L2 norm is at most max_norm.
    emb = jnp.take(table, idx, axis=0)
    norm = jnp.linalg.norm(emb, axis=1, keepdims=True)
    scale = jnp.minimum(1.0, max_norm / jnp.maximum(norm, 1e-12))
    return emb * scale


def setup_inputs(seed: int = 0) -> dict:
    key = jax.random.key(seed)
    k1, k2, k3, k4 = jax.random.split(key, 4)
    u = jax.random.randint(k1, (BATCH,), 0, N_USERS, dtype=jnp.int64 if jax.config.jax_enable_x64 else jnp.int32).astype(jnp.int32)
    v = jax.random.randint(k2, (BATCH,), 0, N_ITEMS, dtype=jnp.int64 if jax.config.jax_enable_x64 else jnp.int32).astype(jnp.int32)
    users = jax.random.normal(k3, (N_USERS, DIM), dtype=jnp.float32) * 0.1
    items = jax.random.normal(k4, (N_ITEMS, DIM), dtype=jnp.float32) * 0.1
    return {"u": u, "v": v, "users": users, "items": items}


def reference(u, v, users, items):
    ue = _lookup_maxnorm(users, u, 1.0)
    ve = _lookup_maxnorm(items, v, 1.0)
    uv = jnp.sum(ue * ve, axis=1)
    logit = jax.nn.sigmoid(uv)
    return logit

if __name__ == "__main__":
    import jax
    _d = setup_inputs()
    print(jax.jit(kernel)(*tuple(_d.values())))

</pallas_src>

<mosaic_0001>
#map = affine_map<(d0, d1) -> (0)>
#map1 = affine_map<(d0, d1) -> (0, 0)>
module attributes {stable_mosaic.version = 14 : i64} {
  func.func @_als_sc(%arg0: i32, %arg1: i32, %arg2: memref<16384xi32, #tpu.memory_space<hbm>>, %arg3: memref<16384xi32, #tpu.memory_space<hbm>>, %arg4: memref<1000000x32xf32, #tpu.memory_space<hbm>>, %arg5: memref<1000000x32xf32, #tpu.memory_space<hbm>>, %arg6: memref<16384xf32, #tpu.memory_space<hbm>>, %arg7: memref<4x128xi32, #tpu.memory_space<vmem>>, %arg8: memref<4x128xi32, #tpu.memory_space<vmem>>, %arg9: memref<512x32xf32, #tpu.memory_space<vmem>>, %arg10: memref<512x32xf32, #tpu.memory_space<vmem>>, %arg11: memref<512xf32, #tpu.memory_space<vmem>>, %arg12: memref<!tpu.dma_semaphore, #tpu.memory_space<semaphore_mem>>) attributes {dimension_semantics = [#tpu.dimension_semantics<core_parallel>, #tpu.dimension_semantics<subcore_parallel>], iteration_bounds = array<i64: 2, 16>, scalar_prefetch = 0 : i64, scratch_operands = 6 : i64, tpu.core_type = #tpu.core_type<sc_vector_subcore>, window_params = [{transform_indices = #map}, {transform_indices = #map}, {transform_indices = #map1}, {transform_indices = #map1}, {transform_indices = #map}]} {
    %mul3A = arith.constant 2 : i32
    %mul3A_0 = arith.muli %arg1, %mul3A : i32
    %add3A = arith.addi %mul3A_0, %arg0 : i32
    %mul3A_1 = arith.constant 512 : i32
    %mul3A_2 = arith.muli %add3A, %mul3A_1 : i32
    %add3A_3 = arith.constant 0 : i32
    %add3A_4 = arith.addi %mul3A_2, %add3A_3 : i32
    %run_scoped3A = arith.constant 0 : i32
    "tpu.region"() ({
      %run_scoped3A_190 = tpu.sem_alloc : memref<!tpu.dma_semaphore, #tpu.memory_space<semaphore_mem>>
      %dma_start3A_191 = arith.constant 0 : i32
      %dma_start3A_192 = tpu.memref_slice %arg7[%run_scoped3A, %dma_start3A_191] : memref<4x128xi32, #tpu.memory_space<vmem>> -> memref<1x128xi32, #tpu.memory_space<vmem>>
      %dma_start3A_193 = tpu.memref_squeeze %dma_start3A_192 : memref<1x128xi32, #tpu.memory_space<vmem>> -> memref<128xi32, #tpu.memory_space<vmem>>
      %dma_start3A_194 = tpu.memref_slice %arg2[%add3A_4] : memref<16384xi32, #tpu.memory_space<hbm>> -> memref<128xi32, #tpu.memory_space<hbm>>
      %dma_start3A_195 = arith.constant 0 : i32
      %dma_start3A_196 = tpu.memref_slice %arg7[%run_scoped3A, %dma_start3A_195] : memref<4x128xi32, #tpu.memory_space<vmem>> -> memref<1x128xi32, #tpu.memory_space<vmem>>
      %dma_start3A_197 = tpu.memref_squeeze %dma_start3A_196 : memref<1x128xi32, #tpu.memory_space<vmem>> -> memref<128xi32, #tpu.memory_space<vmem>>
      %dma_start3A_198 = tpu.memref_slice %arg2[%add3A_4] : memref<16384xi32, #tpu.memory_space<hbm>> -> memref<128xi32, #tpu.memory_space<hbm>>
      tpu.enqueue_dma source(%dma_start3A_198 : memref<128xi32, #tpu.memory_space<hbm>>) target(%dma_start3A_197 : memref<128xi32, #tpu.memory_space<vmem>>) target_semaphore(%run_scoped3A_190 : memref<!tpu.dma_semaphore, #tpu.memory_space<semaphore_mem>>)
      %dma_wait3A_199 = arith.constant 0 : i32
      %dma_wait3A_200 = tpu.memref_slice %arg7[%run_scoped3A, %dma_wait3A_199] : memref<4x128xi32, #tpu.memory_space<vmem>> -> memref<1x128xi32, #tpu.memory_space<vmem>>
      %dma_wait3A_201 = tpu.memref_squeeze %dma_wait3A_200 : memref<1x128xi32, #tpu.memory_space<vmem>> -> memref<128xi32, #tpu.memory_space<vmem>>
      %dma_wait3A_202 = tpu.memref_slice %arg2[%add3A_4] : memref<16384xi32, #tpu.memory_space<hbm>> -> memref<128xi32, #tpu.memory_space<hbm>>
      %dma_wait3A_203 = arith.constant 0 : i32
      %dma_wait3A_204 = tpu.memref_slice %arg7[%run_scoped3A, %dma_wait3A_203] : memref<4x128xi32, #tpu.memory_space<vmem>> -> memref<1x128xi32, #tpu.memory_space<vmem>>
      %dma_wait3A_205 = tpu.memref_squeeze %dma_wait3A_204 : memref<1x128xi32, #tpu.memory_space<vmem>> -> memref<128xi32, #tpu.memory_space<vmem>>
      %dma_wait3A_206 = tpu.memref_slice %arg2[%add3A_4] : memref<16384xi32, #tpu.memory_space<hbm>> -> memref<128xi32, #tpu.memory_space<hbm>>
      tpu.wait_dma2 semaphore(%run_scoped3A_190 : memref<!tpu.dma_semaphore, #tpu.memory_space<semaphore_mem>>) src(%dma_wait3A_206 : memref<128xi32, #tpu.memory_space<hbm>>) dst(%dma_wait3A_205 : memref<128xi32, #tpu.memory_space<vmem>>)
      tpu.yield
    }) : () -> ()
    %add3A_5 = arith.constant 0 : i32
    %add3A_6 = arith.addi %mul3A_2, %add3A_5 : i32
    %run_scoped3A_7 = arith.constant 0 : i32
    "tpu.region"() ({
      %run_scoped3A_190 = tpu.sem_alloc : memref<!tpu.dma_semaphore, #tpu.memory_space<semaphore_mem>>
      %dma_start3A_191 = arith.constant 0 : i32
      %dma_start3A_192 = tpu.memref_slice %arg8[%run_scoped3A_7, %dma_start3A_191] : memref<4x128xi32, #tpu.memory_space<vmem>> -> memref<1x128xi32, #tpu.memory_space<vmem>>
      %dma_start3A_193 = tpu.memref_squeeze %dma_start3A_192 : memref<1x128xi32, #tpu.memory_space<vmem>> -> memref<128xi32, #tpu.memory_space<vmem>>
      %dma_start3A_194 = tpu.memref_slice %arg3[%add3A_6] : memref<16384xi32, #tpu.memory_space<hbm>> -> memref<128xi32, #tpu.memory_space<hbm>>
      %dma_start3A_195 = arith.constant 0 : i32
      %dma_start3A_196 = tpu.memref_slice %arg8[%run_scoped3A_7, %dma_start3A_195] : memref<4x128xi32, #tpu.memory_space<vmem>> -> memref<1x128xi32, #tpu.memory_space<vmem>>
      %dma_start3A_197 = tpu.memref_squeeze %dma_start3A_196 : memref<1x128xi32, #tpu.memory_space<vmem>> -> memref<128xi32, #tpu.memory_space<vmem>>
      %dma_start3A_198 = tpu.memref_slice %arg3[%add3A_6] : memref<16384xi32, #tpu.memory_space<hbm>> -> memref<128xi32, #tpu.memory_space<hbm>>
      tpu.enqueue_dma source(%dma_start3A_198 : memref<128xi32, #tpu.memory_space<hbm>>) target(%dma_start3A_197 : memref<128xi32, #tpu.memory_space<vmem>>) target_semaphore(%run_scoped3A_190 : memref<!tpu.dma_semaphore, #tpu.memory_space<semaphore_mem>>)
      %dma_wait3A_199 = arith.constant 0 : i32
      %dma_wait3A_200 = tpu.memref_slice %arg8[%run_scoped3A_7, %dma_wait3A_199] : memref<4x128xi32, #tpu.memory_space<vmem>> -> memref<1x128xi32, #tpu.memory_space<vmem>>
      %dma_wait3A_201 = tpu.memref_squeeze %dma_wait3A_200 : memref<1x128xi32, #tpu.memory_space<vmem>> -> memref<128xi32, #tpu.memory_space<vmem>>
      %dma_wait3A_202 = tpu.memref_slice %arg3[%add3A_6] : memref<16384xi32, #tpu.memory_space<hbm>> -> memref<128xi32, #tpu.memory_space<hbm>>
      %dma_wait3A_203 = arith.constant 0 : i32
      %dma_wait3A_204 = tpu.memref_slice %arg8[%run_scoped3A_7, %dma_wait3A_203] : memref<4x128xi32, #tpu.memory_space<vmem>> -> memref<1x128xi32, #tpu.memory_space<vmem>>
      %dma_wait3A_205 = tpu.memref_squeeze %dma_wait3A_204 : memref<1x128xi32, #tpu.memory_space<vmem>> -> memref<128xi32, #tpu.memory_space<vmem>>
      %dma_wait3A_206 = tpu.memref_slice %arg3[%add3A_6] : memref<16384xi32, #tpu.memory_space<hbm>> -> memref<128xi32, #tpu.memory_space<hbm>>
      tpu.wait_dma2 semaphore(%run_scoped3A_190 : memref<!tpu.dma_semaphore, #tpu.memory_space<semaphore_mem>>) src(%dma_wait3A_206 : memref<128xi32, #tpu.memory_space<hbm>>) dst(%dma_wait3A_205 : memref<128xi32, #tpu.memory_space<vmem>>)
      tpu.yield
    }) : () -> ()
    %add3A_8 = arith.constant 128 : i32
    %add3A_9 = arith.addi %mul3A_2, %add3A_8 : i32
    %run_scoped3A_10 = arith.constant 1 : i32
    "tpu.region"() ({
      %run_scoped3A_190 = tpu.sem_alloc : memref<!tpu.dma_semaphore, #tpu.memory_space<semaphore_mem>>
      %dma_start3A_191 = arith.constant 0 : i32
      %dma_start3A_192 = tpu.memref_slice %arg7[%run_scoped3A_10, %dma_start3A_191] : memref<4x128xi32, #tpu.memory_space<vmem>> -> memref<1x128xi32, #tpu.memory_space<vmem>>
      %dma_start3A_193 = tpu.memref_squeeze %dma_start3A_192 : memref<1x128xi32, #tpu.memory_space<vmem>> -> memref<128xi32, #tpu.memory_space<vmem>>
      %dma_start3A_194 = tpu.memref_slice %arg2[%add3A_9] : memref<16384xi32, #tpu.memory_space<hbm>> -> memref<128xi32, #tpu.memory_space<hbm>>
      %dma_start3A_195 = arith.constant 0 : i32
      %dma_start3A_196 = tpu.memref_slice %arg7[%run_scoped3A_10, %dma_start3A_195] : memref<4x128xi32, #tpu.memory_space<vmem>> -> memref<1x128xi32, #tpu.memory_space<vmem>>
      %dma_start3A_197 = tpu.memref_squeeze %dma_start3A_196 : memref<1x128xi32, #tpu.memory_space<vmem>> -> memref<128xi32, #tpu.memory_space<vmem>>
      %dma_start3A_198 = tpu.memref_slice %arg2[%add3A_9] : memref<16384xi32, #tpu.memory_space<hbm>> -> memref<128xi32, #tpu.memory_space<hbm>>
      tpu.enqueue_dma source(%dma_start3A_198 : memref<128xi32, #tpu.memory_space<hbm>>) target(%dma_start3A_197 : memref<128xi32, #tpu.memory_space<vmem>>) target_semaphore(%run_scoped3A_190 : memref<!tpu.dma_semaphore, #tpu.memory_space<semaphore_mem>>)
      %dma_wait3A_199 = arith.constant 0 : i32
      %dma_wait3A_200 = tpu.memref_slice %arg7[%run_scoped3A_10, %dma_wait3A_199] : memref<4x128xi32, #tpu.memory_space<vmem>> -> memref<1x128xi32, #tpu.memory_space<vmem>>
      %dma_wait3A_201 = tpu.memref_squeeze %dma_wait3A_200 : memref<1x128xi32, #tpu.memory_space<vmem>> -> memref<128xi32, #tpu.memory_space<vmem>>
      %dma_wait3A_202 = tpu.memref_slice %arg2[%add3A_9] : memref<16384xi32, #tpu.memory_space<hbm>> -> memref<128xi32, #tpu.memory_space<hbm>>
      %dma_wait3A_203 = arith.constant 0 : i32
      %dma_wait3A_204 = tpu.memref_slice %arg7[%run_scoped3A_10, %dma_wait3A_203] : memref<4x128xi32, #tpu.memory_space<vmem>> -> memref<1x128xi32, #tpu.memory_space<vmem>>
      %dma_wait3A_205 = tpu.memref_squeeze %dma_wait3A_204 : memref<1x128xi32, #tpu.memory_space<vmem>> -> memref<128xi32, #tpu.memory_space<vmem>>
      %dma_wait3A_206 = tpu.memref_slice %arg2[%add3A_9] : memref<16384xi32, #tpu.memory_space<hbm>> -> memref<128xi32, #tpu.memory_space<hbm>>
      tpu.wait_dma2 semaphore(%run_scoped3A_190 : memref<!tpu.dma_semaphore, #tpu.memory_space<semaphore_mem>>) src(%dma_wait3A_206 : memref<128xi32, #tpu.memory_space<hbm>>) dst(%dma_wait3A_205 : memref<128xi32, #tpu.memory_space<vmem>>)
      tpu.yield
    }) : () -> ()
    %add3A_11 = arith.constant 128 : i32
    %add3A_12 = arith.addi %mul3A_2, %add3A_11 : i32
    %run_scoped3A_13 = arith.constant 1 : i32
    "tpu.region"() ({
      %run_scoped3A_190 = tpu.sem_alloc : memref<!tpu.dma_semaphore, #tpu.memory_space<semaphore_mem>>
      %dma_start3A_191 = arith.constant 0 : i32
      %dma_start3A_192 = tpu.memref_slice %arg8[%run_scoped3A_13, %dma_start3A_191] : memref<4x128xi32, #tpu.memory_space<vmem>> -> memref<1x128xi32, #tpu.memory_space<vmem>>
      %dma_start3A_193 = tpu.memref_squeeze %dma_start3A_192 : memref<1x128xi32, #tpu.memory_space<vmem>> -> memref<128xi32, #tpu.memory_space<vmem>>
      %dma_start3A_194 = tpu.memref_slice %arg3[%add3A_12] : memref<16384xi32, #tpu.memory_space<hbm>> -> memref<128xi32, #tpu.memory_space<hbm>>
      %dma_start3A_195 = arith.constant 0 : i32
      %dma_start3A_196 = tpu.memref_slice %arg8[%run_scoped3A_13, %dma_start3A_195] : memref<4x128xi32, #tpu.memory_space<vmem>> -> memref<1x128xi32, #tpu.memory_space<vmem>>
      %dma_start3A_197 = tpu.memref_squeeze %dma_start3A_196 : memref<1x128xi32, #tpu.memory_space<vmem>> -> memref<128xi32, #tpu.memory_space<vmem>>
      %dma_start3A_198 = tpu.memref_slice %arg3[%add3A_12] : memref<16384xi32, #tpu.memory_space<hbm>> -> memref<128xi32, #tpu.memory_space<hbm>>
      tpu.enqueue_dma source(%dma_start3A_198 : memref<128xi32, #tpu.memory_space<hbm>>) target(%dma_start3A_197 : memref<128xi32, #tpu.memory_space<vmem>>) target_semaphore(%run_scoped3A_190 : memref<!tpu.dma_semaphore, #tpu.memory_space<semaphore_mem>>)
      %dma_wait3A_199 = arith.constant 0 : i32
      %dma_wait3A_200 = tpu.memref_slice %arg8[%run_scoped3A_13, %dma_wait3A_199] : memref<4x128xi32, #tpu.memory_space<vmem>> -> memref<1x128xi32, #tpu.memory_space<vmem>>
      %dma_wait3A_201 = tpu.memref_squeeze %dma_wait3A_200 : memref<1x128xi32, #tpu.memory_space<vmem>> -> memref<128xi32, #tpu.memory_space<vmem>>
      %dma_wait3A_202 = tpu.memref_slice %arg3[%add3A_12] : memref<16384xi32, #tpu.memory_space<hbm>> -> memref<128xi32, #tpu.memory_space<hbm>>
      %dma_wait3A_203 = arith.constant 0 : i32
      %dma_wait3A_204 = tpu.memref_slice %arg8[%run_scoped3A_13, %dma_wait3A_203] : memref<4x128xi32, #tpu.memory_space<vmem>> -> memref<1x128xi32, #tpu.memory_space<vmem>>
      %dma_wait3A_205 = tpu.memref_squeeze %dma_wait3A_204 : memref<1x128xi32, #tpu.memory_space<vmem>> -> memref<128xi32, #tpu.memory_space<vmem>>
      %dma_wait3A_206 = tpu.memref_slice %arg3[%add3A_12] : memref<16384xi32, #tpu.memory_space<hbm>> -> memref<128xi32, #tpu.memory_space<hbm>>
      tpu.wait_dma2 semaphore(%run_scoped3A_190 : memref<!tpu.dma_semaphore, #tpu.memory_space<semaphore_mem>>) src(%dma_wait3A_206 : memref<128xi32, #tpu.memory_space<hbm>>) dst(%dma_wait3A_205 : memref<128xi32, #tpu.memory_space<vmem>>)
      tpu.yield
    }) : () -> ()
    %add3A_14 = arith.constant 256 : i32
    %add3A_15 = arith.addi %mul3A_2, %add3A_14 : i32
    %run_scoped3A_16 = arith.constant 2 : i32
    "tpu.region"() ({
      %run_scoped3A_190 = tpu.sem_alloc : memref<!tpu.dma_semaphore, #tpu.memory_space<semaphore_mem>>
      %dma_start3A_191 = arith.constant 0 : i32
      %dma_start3A_192 = tpu.memref_slice %arg7[%run_scoped3A_16, %dma_start3A_191] : memref<4x128xi32, #tpu.memory_space<vmem>> -> memref<1x128xi32, #tpu.memory_space<vmem>>
      %dma_start3A_193 = tpu.memref_squeeze %dma_start3A_192 : memref<1x128xi32, #tpu.memory_space<vmem>> -> memref<128xi32, #tpu.memory_space<vmem>>
      %dma_start3A_194 = tpu.memref_slice %arg2[%add3A_15] : memref<16384xi32, #tpu.memory_space<hbm>> -> memref<128xi32, #tpu.memory_space<hbm>>
      %dma_start3A_195 = arith.constant 0 : i32
      %dma_start3A_196 = tpu.memref_slice %arg7[%run_scoped3A_16, %dma_start3A_195] : memref<4x128xi32, #tpu.memory_space<vmem>> -> memref<1x128xi32, #tpu.memory_space<vmem>>
      %dma_start3A_197 = tpu.memref_squeeze %dma_start3A_196 : memref<1x128xi32, #tpu.memory_space<vmem>> -> memref<128xi32, #tpu.memory_space<vmem>>
      %dma_start3A_198 = tpu.memref_slice %arg2[%add3A_15] : memref<16384xi32, #tpu.memory_space<hbm>> -> memref<128xi32, #tpu.memory_space<hbm>>
      tpu.enqueue_dma source(%dma_start3A_198 : memref<128xi32, #tpu.memory_space<hbm>>) target(%dma_start3A_197 : memref<128xi32, #tpu.memory_space<vmem>>) target_semaphore(%run_scoped3A_190 : memref<!tpu.dma_semaphore, #tpu.memory_space<semaphore_mem>>)
      %dma_wait3A_199 = arith.constant 0 : i32
      %dma_wait3A_200 = tpu.memref_slice %arg7[%run_scoped3A_16, %dma_wait3A_199] : memref<4x128xi32, #tpu.memory_space<vmem>> -> memref<1x128xi32, #tpu.memory_space<vmem>>
      %dma_wait3A_201 = tpu.memref_squeeze %dma_wait3A_200 : memref<1x128xi32, #tpu.memory_space<vmem>> -> memref<128xi32, #tpu.memory_space<vmem>>
      %dma_wait3A_202 = tpu.memref_slice %arg2[%add3A_15] : memref<16384xi32, #tpu.memory_space<hbm>> -> memref<128xi32, #tpu.memory_space<hbm>>
      %dma_wait3A_203 = arith.constant 0 : i32
      %dma_wait3A_204 = tpu.memref_slice %arg7[%run_scoped3A_16, %dma_wait3A_203] : memref<4x128xi32, #tpu.memory_space<vmem>> -> memref<1x128xi32, #tpu.memory_space<vmem>>
      %dma_wait3A_205 = tpu.memref_squeeze %dma_wait3A_204 : memref<1x128xi32, #tpu.memory_space<vmem>> -> memref<128xi32, #tpu.memory_space<vmem>>
      %dma_wait3A_206 = tpu.memref_slice %arg2[%add3A_15] : memref<16384xi32, #tpu.memory_space<hbm>> -> memref<128xi32, #tpu.memory_space<hbm>>
      tpu.wait_dma2 semaphore(%run_scoped3A_190 : memref<!tpu.dma_semaphore, #tpu.memory_space<semaphore_mem>>) src(%dma_wait3A_206 : memref<128xi32, #tpu.memory_space<hbm>>) dst(%dma_wait3A_205 : memref<128xi32, #tpu.memory_space<vmem>>)
      tpu.yield
    }) : () -> ()
    %add3A_17 = arith.constant 256 : i32
    %add3A_18 = arith.addi %mul3A_2, %add3A_17 : i32
    %run_scoped3A_19 = arith.constant 2 : i32
    "tpu.region"() ({
      %run_scoped3A_190 = tpu.sem_alloc : memref<!tpu.dma_semaphore, #tpu.memory_space<semaphore_mem>>
      %dma_start3A_191 = arith.constant 0 : i32
      %dma_start3A_192 = tpu.memref_slice %arg8[%run_scoped3A_19, %dma_start3A_191] : memref<4x128xi32, #tpu.memory_space<vmem>> -> memref<1x128xi32, #tpu.memory_space<vmem>>
      %dma_start3A_193 = tpu.memref_squeeze %dma_start3A_192 : memref<1x128xi32, #tpu.memory_space<vmem>> -> memref<128xi32, #tpu.memory_space<vmem>>
      %dma_start3A_194 = tpu.memref_slice %arg3[%add3A_18] : memref<16384xi32, #tpu.memory_space<hbm>> -> memref<128xi32, #tpu.memory_space<hbm>>
      %dma_start3A_195 = arith.constant 0 : i32
      %dma_start3A_196 = tpu.memref_slice %arg8[%run_scoped3A_19, %dma_start3A_195] : memref<4x128xi32, #tpu.memory_space<vmem>> -> memref<1x128xi32, #tpu.memory_space<vmem>>
      %dma_start3A_197 = tpu.memref_squeeze %dma_start3A_196 : memref<1x128xi32, #tpu.memory_space<vmem>> -> memref<128xi32, #tpu.memory_space<vmem>>
      %dma_start3A_198 = tpu.memref_slice %arg3[%add3A_18] : memref<16384xi32, #tpu.memory_space<hbm>> -> memref<128xi32, #tpu.memory_space<hbm>>
      tpu.enqueue_dma source(%dma_start3A_198 : memref<128xi32, #tpu.memory_space<hbm>>) target(%dma_start3A_197 : memref<128xi32, #tpu.memory_space<vmem>>) target_semaphore(%run_scoped3A_190 : memref<!tpu.dma_semaphore, #tpu.memory_space<semaphore_mem>>)
      %dma_wait3A_199 = arith.constant 0 : i32
      %dma_wait3A_200 = tpu.memref_slice %arg8[%run_scoped3A_19, %dma_wait3A_199] : memref<4x128xi32, #tpu.memory_space<vmem>> -> memref<1x128xi32, #tpu.memory_space<vmem>>
      %dma_wait3A_201 = tpu.memref_squeeze %dma_wait3A_200 : memref<1x128xi32, #tpu.memory_space<vmem>> -> memref<128xi32, #tpu.memory_space<vmem>>
      %dma_wait3A_202 = tpu.memref_slice %arg3[%add3A_18] : memref<16384xi32, #tpu.memory_space<hbm>> -> memref<128xi32, #tpu.memory_space<hbm>>
      %dma_wait3A_203 = arith.constant 0 : i32
      %dma_wait3A_204 = tpu.memref_slice %arg8[%run_scoped3A_19, %dma_wait3A_203] : memref<4x128xi32, #tpu.memory_space<vmem>> -> memref<1x128xi32, #tpu.memory_space<vmem>>
      %dma_wait3A_205 = tpu.memref_squeeze %dma_wait3A_204 : memref<1x128xi32, #tpu.memory_space<vmem>> -> memref<128xi32, #tpu.memory_space<vmem>>
      %dma_wait3A_206 = tpu.memref_slice %arg3[%add3A_18] : memref<16384xi32, #tpu.memory_space<hbm>> -> memref<128xi32, #tpu.memory_space<hbm>>
      tpu.wait_dma2 semaphore(%run_scoped3A_190 : memref<!tpu.dma_semaphore, #tpu.memory_space<semaphore_mem>>) src(%dma_wait3A_206 : memref<128xi32, #tpu.memory_space<hbm>>) dst(%dma_wait3A_205 : memref<128xi32, #tpu.memory_space<vmem>>)
      tpu.yield
    }) : () -> ()
    %add3A_20 = arith.constant 384 : i32
    %add3A_21 = arith.addi %mul3A_2, %add3A_20 : i32
    %run_scoped3A_22 = arith.constant 3 : i32
    "tpu.region"() ({
      %run_scoped3A_190 = tpu.sem_alloc : memref<!tpu.dma_semaphore, #tpu.memory_space<semaphore_mem>>
      %dma_start3A_191 = arith.constant 0 : i32
      %dma_start3A_192 = tpu.memref_slice %arg7[%run_scoped3A_22, %dma_start3A_191] : memref<4x128xi32, #tpu.memory_space<vmem>> -> memref<1x128xi32, #tpu.memory_space<vmem>>
      %dma_start3A_193 = tpu.memref_squeeze %dma_start3A_192 : memref<1x128xi32, #tpu.memory_space<vmem>> -> memref<128xi32, #tpu.memory_space<vmem>>
      %dma_start3A_194 = tpu.memref_slice %arg2[%add3A_21] : memref<16384xi32, #tpu.memory_space<hbm>> -> memref<128xi32, #tpu.memory_space<hbm>>
      %dma_start3A_195 = arith.constant 0 : i32
      %dma_start3A_196 = tpu.memref_slice %arg7[%run_scoped3A_22, %dma_start3A_195] : memref<4x128xi32, #tpu.memory_space<vmem>> -> memref<1x128xi32, #tpu.memory_space<vmem>>
      %dma_start3A_197 = tpu.memref_squeeze %dma_start3A_196 : memref<1x128xi32, #tpu.memory_space<vmem>> -> memref<128xi32, #tpu.memory_space<vmem>>
      %dma_start3A_198 = tpu.memref_slice %arg2[%add3A_21] : memref<16384xi32, #tpu.memory_space<hbm>> -> memref<128xi32, #tpu.memory_space<hbm>>
      tpu.enqueue_dma source(%dma_start3A_198 : memref<128xi32, #tpu.memory_space<hbm>>) target(%dma_start3A_197 : memref<128xi32, #tpu.memory_space<vmem>>) target_semaphore(%run_scoped3A_190 : memref<!tpu.dma_semaphore, #tpu.memory_space<semaphore_mem>>)
      %dma_wait3A_199 = arith.constant 0 : i32
      %dma_wait3A_200 = tpu.memref_slice %arg7[%run_scoped3A_22, %dma_wait3A_199] : memref<4x128xi32, #tpu.memory_space<vmem>> -> memref<1x128xi32, #tpu.memory_space<vmem>>
      %dma_wait3A_201 = tpu.memref_squeeze %dma_wait3A_200 : memref<1x128xi32, #tpu.memory_space<vmem>> -> memref<128xi32, #tpu.memory_space<vmem>>
      %dma_wait3A_202 = tpu.memref_slice %arg2[%add3A_21] : memref<16384xi32, #tpu.memory_space<hbm>> -> memref<128xi32, #tpu.memory_space<hbm>>
      %dma_wait3A_203 = arith.constant 0 : i32
      %dma_wait3A_204 = tpu.memref_slice %arg7[%run_scoped3A_22, %dma_wait3A_203] : memref<4x128xi32, #tpu.memory_space<vmem>> -> memref<1x128xi32, #tpu.memory_space<vmem>>
      %dma_wait3A_205 = tpu.memref_squeeze %dma_wait3A_204 : memref<1x128xi32, #tpu.memory_space<vmem>> -> memref<128xi32, #tpu.memory_space<vmem>>
      %dma_wait3A_206 = tpu.memref_slice %arg2[%add3A_21] : memref<16384xi32, #tpu.memory_space<hbm>> -> memref<128xi32, #tpu.memory_space<hbm>>
      tpu.wait_dma2 semaphore(%run_scoped3A_190 : memref<!tpu.dma_semaphore, #tpu.memory_space<semaphore_mem>>) src(%dma_wait3A_206 : memref<128xi32, #tpu.memory_space<hbm>>) dst(%dma_wait3A_205 : memref<128xi32, #tpu.memory_space<vmem>>)
      tpu.yield
    }) : () -> ()
    %add3A_23 = arith.constant 384 : i32
    %add3A_24 = arith.addi %mul3A_2, %add3A_23 : i32
    %run_scoped3A_25 = arith.constant 3 : i32
    "tpu.region"() ({
      %run_scoped3A_190 = tpu.sem_alloc : memref<!tpu.dma_semaphore, #tpu.memory_space<semaphore_mem>>
      %dma_start3A_191 = arith.constant 0 : i32
      %dma_start3A_192 = tpu.memref_slice %arg8[%run_scoped3A_25, %dma_start3A_191] : memref<4x128xi32, #tpu.memory_space<vmem>> -> memref<1x128xi32, #tpu.memory_space<vmem>>
      %dma_start3A_193 = tpu.memref_squeeze %dma_start3A_192 : memref<1x128xi32, #tpu.memory_space<vmem>> -> memref<128xi32, #tpu.memory_space<vmem>>
      %dma_start3A_194 = tpu.memref_slice %arg3[%add3A_24] : memref<16384xi32, #tpu.memory_space<hbm>> -> memref<128xi32, #tpu.memory_space<hbm>>
      %dma_start3A_195 = arith.constant 0 : i32
      %dma_start3A_196 = tpu.memref_slice %arg8[%run_scoped3A_25, %dma_start3A_195] : memref<4x128xi32, #tpu.memory_space<vmem>> -> memref<1x128xi32, #tpu.memory_space<vmem>>
      %dma_start3A_197 = tpu.memref_squeeze %dma_start3A_196 : memref<1x128xi32, #tpu.memory_space<vmem>> -> memref<128xi32, #tpu.memory_space<vmem>>
      %dma_start3A_198 = tpu.memref_slice %arg3[%add3A_24] : memref<16384xi32, #tpu.memory_space<hbm>> -> memref<128xi32, #tpu.memory_space<hbm>>
      tpu.enqueue_dma source(%dma_start3A_198 : memref<128xi32, #tpu.memory_space<hbm>>) target(%dma_start3A_197 : memref<128xi32, #tpu.memory_space<vmem>>) target_semaphore(%run_scoped3A_190 : memref<!tpu.dma_semaphore, #tpu.memory_space<semaphore_mem>>)
      %dma_wait3A_199 = arith.constant 0 : i32
      %dma_wait3A_200 = tpu.memref_slice %arg8[%run_scoped3A_25, %dma_wait3A_199] : memref<4x128xi32, #tpu.memory_space<vmem>> -> memref<1x128xi32, #tpu.memory_space<vmem>>
      %dma_wait3A_201 = tpu.memref_squeeze %dma_wait3A_200 : memref<1x128xi32, #tpu.memory_space<vmem>> -> memref<128xi32, #tpu.memory_space<vmem>>
      %dma_wait3A_202 = tpu.memref_slice %arg3[%add3A_24] : memref<16384xi32, #tpu.memory_space<hbm>> -> memref<128xi32, #tpu.memory_space<hbm>>
      %dma_wait3A_203 = arith.constant 0 : i32
      %dma_wait3A_204 = tpu.memref_slice %arg8[%run_scoped3A_25, %dma_wait3A_203] : memref<4x128xi32, #tpu.memory_space<vmem>> -> memref<1x128xi32, #tpu.memory_space<vmem>>
      %dma_wait3A_205 = tpu.memref_squeeze %dma_wait3A_204 : memref<1x128xi32, #tpu.memory_space<vmem>> -> memref<128xi32, #tpu.memory_space<vmem>>
      %dma_wait3A_206 = tpu.memref_slice %arg3[%add3A_24] : memref<16384xi32, #tpu.memory_space<hbm>> -> memref<128xi32, #tpu.memory_space<hbm>>
      tpu.wait_dma2 semaphore(%run_scoped3A_190 : memref<!tpu.dma_semaphore, #tpu.memory_space<semaphore_mem>>) src(%dma_wait3A_206 : memref<128xi32, #tpu.memory_space<hbm>>) dst(%dma_wait3A_205 : memref<128xi32, #tpu.memory_space<vmem>>)
      tpu.yield
    }) : () -> ()
    %dma_start3A = arith.constant 0 : i32
    %dma_start3A_26 = arith.constant 0 : i32
    %dma_start3A_27 = arith.constant 0 : i32
    %dma_start3A_28 = tpu.memref_slice %arg9[%dma_start3A_26, %dma_start3A_27] : memref<512x32xf32, #tpu.memory_space<vmem>> -> memref<128x32xf32, #tpu.memory_space<vmem>>
    %dma_start3A_29 = arith.constant 0 : i32
    %dma_start3A_30 = tpu.memref_slice %arg7[%dma_start3A, %dma_start3A_29] : memref<4x128xi32, #tpu.memory_space<vmem>> -> memref<1x128xi32, #tpu.memory_space<vmem>>
    %dma_start3A_31 = tpu.memref_squeeze %dma_start3A_30 : memref<1x128xi32, #tpu.memory_space<vmem>> -> memref<128xi32, #tpu.memory_space<vmem>>
    %dma_start3A_32 = arith.constant 0 : i32
    %dma_start3A_33 = arith.constant 0 : i32
    %dma_start3A_34 = tpu.memref_slice %arg4[%dma_start3A_32, %dma_start3A_33] : memref<1000000x32xf32, #tpu.memory_space<hbm>> -> memref<1000000x32xf32, #tpu.memory_space<hbm>>
    tpu.enqueue_indirect_dma source(%dma_start3A_34 : memref<1000000x32xf32, #tpu.memory_space<hbm>>) target(%dma_start3A_28 : memref<128x32xf32, #tpu.memory_space<vmem>>) offsets(%dma_start3A_31 : memref<128xi32, #tpu.memory_space<vmem>>) semaphore(%arg12 : memref<!tpu.dma_semaphore, #tpu.memory_space<semaphore_mem>>)
    %dma_start3A_35 = arith.constant 0 : i32
    %dma_start3A_36 = arith.constant 0 : i32
    %dma_start3A_37 = arith.constant 0 : i32
    %dma_start3A_38 = tpu.memref_slice %arg10[%dma_start3A_36, %dma_start3A_37] : memref<512x32xf32, #tpu.memory_space<vmem>> -> memref<128x32xf32, #tpu.memory_space<vmem>>
    %dma_start3A_39 = arith.constant 0 : i32
    %dma_start3A_40 = tpu.memref_slice %arg8[%dma_start3A_35, %dma_start3A_39] : memref<4x128xi32, #tpu.memory_space<vmem>> -> memref<1x128xi32, #tpu.memory_space<vmem>>
    %dma_start3A_41 = tpu.memref_squeeze %dma_start3A_40 : memref<1x128xi32, #tpu.memory_space<vmem>> -> memref<128xi32, #tpu.memory_space<vmem>>
    %dma_start3A_42 = arith.constant 0 : i32
    %dma_start3A_43 = arith.constant 0 : i32
    %dma_start3A_44 = tpu.memref_slice %arg5[%dma_start3A_42, %dma_start3A_43] : memref<1000000x32xf32, #tpu.memory_space<hbm>> -> memref<1000000x32xf32, #tpu.memory_space<hbm>>
    tpu.enqueue_indirect_dma source(%dma_start3A_44 : memref<1000000x32xf32, #tpu.memory_space<hbm>>) target(%dma_start3A_38 : memref<128x32xf32, #tpu.memory_space<vmem>>) offsets(%dma_start3A_41 : memref<128xi32, #tpu.memory_space<vmem>>) semaphore(%arg12 : memref<!tpu.dma_semaphore, #tpu.memory_space<semaphore_mem>>)
    %dma_start3A_45 = arith.constant 1 : i32
    %dma_start3A_46 = arith.constant 128 : i32
    %dma_start3A_47 = arith.constant 0 : i32
    %dma_start3A_48 = tpu.memref_slice %arg9[%dma_start3A_46, %dma_start3A_47] : memref<512x32xf32, #tpu.memory_space<vmem>> -> memref<128x32xf32, #tpu.memory_space<vmem>>
    %dma_start3A_49 = arith.constant 0 : i32
    %dma_start3A_50 = tpu.memref_slice %arg7[%dma_start3A_45, %dma_start3A_49] : memref<4x128xi32, #tpu.memory_space<vmem>> -> memref<1x128xi32, #tpu.memory_space<vmem>>
    %dma_start3A_51 = tpu.memref_squeeze %dma_start3A_50 : memref<1x128xi32, #tpu.memory_space<vmem>> -> memref<128xi32, #tpu.memory_space<vmem>>
    %dma_start3A_52 = arith.constant 0 : i32
    %dma_start3A_53 = arith.constant 0 : i32
    %dma_start3A_54 = tpu.memref_slice %arg4[%dma_start3A_52, %dma_start3A_53] : memref<1000000x32xf32, #tpu.memory_space<hbm>> -> memref<1000000x32xf32, #tpu.memory_space<hbm>>
    tpu.enqueue_indirect_dma source(%dma_start3A_54 : memref<1000000x32xf32, #tpu.memory_space<hbm>>) target(%dma_start3A_48 : memref<128x32xf32, #tpu.memory_space<vmem>>) offsets(%dma_start3A_51 : memref<128xi32, #tpu.memory_space<vmem>>) semaphore(%arg12 : memref<!tpu.dma_semaphore, #tpu.memory_space<semaphore_mem>>)
    %dma_start3A_55 = arith.constant 1 : i32
    %dma_start3A_56 = arith.constant 128 : i32
    %dma_start3A_57 = arith.constant 0 : i32
    %dma_start3A_58 = tpu.memref_slice %arg10[%dma_start3A_56, %dma_start3A_57] : memref<512x32xf32, #tpu.memory_space<vmem>> -> memref<128x32xf32, #tpu.memory_space<vmem>>
    %dma_start3A_59 = arith.constant 0 : i32
    %dma_start3A_60 = tpu.memref_slice %arg8[%dma_start3A_55, %dma_start3A_59] : memref<4x128xi32, #tpu.memory_space<vmem>> -> memref<1x128xi32, #tpu.memory_space<vmem>>
    %dma_start3A_61 = tpu.memref_squeeze %dma_start3A_60 : memref<1x128xi32, #tpu.memory_space<vmem>> -> memref<128xi32, #tpu.memory_space<vmem>>
    %dma_start3A_62 = arith.constant 0 : i32
    %dma_start3A_63 = arith.constant 0 : i32
    %dma_start3A_64 = tpu.memref_slice %arg5[%dma_start3A_62, %dma_start3A_63] : memref<1000000x32xf32, #tpu.memory_space<hbm>> -> memref<1000000x32xf32, #tpu.memory_space<hbm>>
    tpu.enqueue_indirect_dma source(%dma_start3A_64 : memref<1000000x32xf32, #tpu.memory_space<hbm>>) target(%dma_start3A_58 : memref<128x32xf32, #tpu.memory_space<vmem>>) offsets(%dma_start3A_61 : memref<128xi32, #tpu.memory_space<vmem>>) semaphore(%arg12 : memref<!tpu.dma_semaphore, #tpu.memory_space<semaphore_mem>>)
    %dma_start3A_65 = arith.constant 2 : i32
    %dma_start3A_66 = arith.constant 256 : i32
    %dma_start3A_67 = arith.constant 0 : i32
    %dma_start3A_68 = tpu.memref_slice %arg9[%dma_start3A_66, %dma_start3A_67] : memref<512x32xf32, #tpu.memory_space<vmem>> -> memref<128x32xf32, #tpu.memory_space<vmem>>
    %dma_start3A_69 = arith.constant 0 : i32
    %dma_start3A_70 = tpu.memref_slice %arg7[%dma_start3A_65, %dma_start3A_69] : memref<4x128xi32, #tpu.memory_space<vmem>> -> memref<1x128xi32, #tpu.memory_space<vmem>>
    %dma_start3A_71 = tpu.memref_squeeze %dma_start3A_70 : memref<1x128xi32, #tpu.memory_space<vmem>> -> memref<128xi32, #tpu.memory_space<vmem>>
    %dma_start3A_72 = arith.constant 0 : i32
    %dma_start3A_73 = arith.constant 0 : i32
    %dma_start3A_74 = tpu.memref_slice %arg4[%dma_start3A_72, %dma_start3A_73] : memref<1000000x32xf32, #tpu.memory_space<hbm>> -> memref<1000000x32xf32, #tpu.memory_space<hbm>>
    tpu.enqueue_indirect_dma source(%dma_start3A_74 : memref<1000000x32xf32, #tpu.memory_space<hbm>>) target(%dma_start3A_68 : memref<128x32xf32, #tpu.memory_space<vmem>>) offsets(%dma_start3A_71 : memref<128xi32, #tpu.memory_space<vmem>>) semaphore(%arg12 : memref<!tpu.dma_semaphore, #tpu.memory_space<semaphore_mem>>)
    %dma_start3A_75 = arith.constant 2 : i32
    %dma_start3A_76 = arith.constant 256 : i32
    %dma_start3A_77 = arith.constant 0 : i32
    %dma_start3A_78 = tpu.memref_slice %arg10[%dma_start3A_76, %dma_start3A_77] : memref<512x32xf32, #tpu.memory_space<vmem>> -> memref<128x32xf32, #tpu.memory_space<vmem>>
    %dma_start3A_79 = arith.constant 0 : i32
    %dma_start3A_80 = tpu.memref_slice %arg8[%dma_start3A_75, %dma_start3A_79] : memref<4x128xi32, #tpu.memory_space<vmem>> -> memref<1x128xi32, #tpu.memory_space<vmem>>
    %dma_start3A_81 = tpu.memref_squeeze %dma_start3A_80 : memref<1x128xi32, #tpu.memory_space<vmem>> -> memref<128xi32, #tpu.memory_space<vmem>>
    %dma_start3A_82 = arith.constant 0 : i32
    %dma_start3A_83 = arith.constant 0 : i32
    %dma_start3A_84 = tpu.memref_slice %arg5[%dma_start3A_82, %dma_start3A_83] : memref<1000000x32xf32, #tpu.memory_space<hbm>> -> memref<1000000x32xf32, #tpu.memory_space<hbm>>
    tpu.enqueue_indirect_dma source(%dma_start3A_84 : memref<1000000x32xf32, #tpu.memory_space<hbm>>) target(%dma_start3A_78 : memref<128x32xf32, #tpu.memory_space<vmem>>) offsets(%dma_start3A_81 : memref<128xi32, #tpu.memory_space<vmem>>) semaphore(%arg12 : memref<!tpu.dma_semaphore, #tpu.memory_space<semaphore_mem>>)
    %dma_start3A_85 = arith.constant 3 : i32
    %dma_start3A_86 = arith.constant 384 : i32
    %dma_start3A_87 = arith.constant 0 : i32
    %dma_start3A_88 = tpu.memref_slice %arg9[%dma_start3A_86, %dma_start3A_87] : memref<512x32xf32, #tpu.memory_space<vmem>> -> memref<128x32xf32, #tpu.memory_space<vmem>>
    %dma_start3A_89 = arith.constant 0 : i32
    %dma_start3A_90 = tpu.memref_slice %arg7[%dma_start3A_85, %dma_start3A_89] : memref<4x128xi32, #tpu.memory_space<vmem>> -> memref<1x128xi32, #tpu.memory_space<vmem>>
    %dma_start3A_91 = tpu.memref_squeeze %dma_start3A_90 : memref<1x128xi32, #tpu.memory_space<vmem>> -> memref<128xi32, #tpu.memory_space<vmem>>
    %dma_start3A_92 = arith.constant 0 : i32
    %dma_start3A_93 = arith.constant 0 : i32
    %dma_start3A_94 = tpu.memref_slice %arg4[%dma_start3A_92, %dma_start3A_93] : memref<1000000x32xf32, #tpu.memory_space<hbm>> -> memref<1000000x32xf32, #tpu.memory_space<hbm>>
    tpu.enqueue_indirect_dma source(%dma_start3A_94 : memref<1000000x32xf32, #tpu.memory_space<hbm>>) target(%dma_start3A_88 : memref<128x32xf32, #tpu.memory_space<vmem>>) offsets(%dma_start3A_91 : memref<128xi32, #tpu.memory_space<vmem>>) semaphore(%arg12 : memref<!tpu.dma_semaphore, #tpu.memory_space<semaphore_mem>>)
    %dma_start3A_95 = arith.constant 3 : i32
    %dma_start3A_96 = arith.constant 384 : i32
    %dma_start3A_97 = arith.constant 0 : i32
    %dma_start3A_98 = tpu.memref_slice %arg10[%dma_start3A_96, %dma_start3A_97] : memref<512x32xf32, #tpu.memory_space<vmem>> -> memref<128x32xf32, #tpu.memory_space<vmem>>
    %dma_start3A_99 = arith.constant 0 : i32
    %dma_start3A_100 = tpu.memref_slice %arg8[%dma_start3A_95, %dma_start3A_99] : memref<4x128xi32, #tpu.memory_space<vmem>> -> memref<1x128xi32, #tpu.memory_space<vmem>>
    %dma_start3A_101 = tpu.memref_squeeze %dma_start3A_100 : memref<1x128xi32, #tpu.memory_space<vmem>> -> memref<128xi32, #tpu.memory_space<vmem>>
    %dma_start3A_102 = arith.constant 0 : i32
    %dma_start3A_103 = arith.constant 0 : i32
    %dma_start3A_104 = tpu.memref_slice %arg5[%dma_start3A_102, %dma_start3A_103] : memref<1000000x32xf32, #tpu.memory_space<hbm>> -> memref<1000000x32xf32, #tpu.memory_space<hbm>>
    tpu.enqueue_indirect_dma source(%dma_start3A_104 : memref<1000000x32xf32, #tpu.memory_space<hbm>>) target(%dma_start3A_98 : memref<128x32xf32, #tpu.memory_space<vmem>>) offsets(%dma_start3A_101 : memref<128xi32, #tpu.memory_space<vmem>>) semaphore(%arg12 : memref<!tpu.dma_semaphore, #tpu.memory_space<semaphore_mem>>)
    %dma_wait3A = arith.constant 0 : i32
    %dma_wait3A_105 = arith.constant 0 : i32
    %dma_wait3A_106 = arith.constant 0 : i32
    %dma_wait3A_107 = tpu.memref_slice %arg9[%dma_wait3A_105, %dma_wait3A_106] : memref<512x32xf32, #tpu.memory_space<vmem>> -> memref<128x32xf32, #tpu.memory_space<vmem>>
    %dma_wait3A_108 = arith.constant 0 : i32
    %dma_wait3A_109 = tpu.memref_slice %arg7[%dma_wait3A, %dma_wait3A_108] : memref<4x128xi32, #tpu.memory_space<vmem>> -> memref<1x128xi32, #tpu.memory_space<vmem>>
    %dma_wait3A_110 = tpu.memref_squeeze %dma_wait3A_109 : memref<1x128xi32, #tpu.memory_space<vmem>> -> memref<128xi32, #tpu.memory_space<vmem>>
    %dma_wait3A_111 = arith.constant 0 : i32
    %dma_wait3A_112 = arith.constant 0 : i32
    %dma_wait3A_113 = tpu.memref_slice %arg4[%dma_wait3A_111, %dma_wait3A_112] : memref<1000000x32xf32, #tpu.memory_space<hbm>> -> memref<1000000x32xf32, #tpu.memory_space<hbm>>
    tpu.wait_indirect_dma semaphore(%arg12 : memref<!tpu.dma_semaphore, #tpu.memory_space<semaphore_mem>>) src(%dma_wait3A_113 : memref<1000000x32xf32, #tpu.memory_space<hbm>>) dst(%dma_wait3A_107 : memref<128x32xf32, #tpu.memory_space<vmem>>)
    %dma_wait3A_114 = arith.constant 0 : i32
    %dma_wait3A_115 = arith.constant 0 : i32
    %dma_wait3A_116 = arith.constant 0 : i32
    %dma_wait3A_117 = tpu.memref_slice %arg10[%dma_wait3A_115, %dma_wait3A_116] : memref<512x32xf32, #tpu.memory_space<vmem>> -> memref<128x32xf32, #tpu.memory_space<vmem>>
    %dma_wait3A_118 = arith.constant 0 : i32
    %dma_wait3A_119 = tpu.memref_slice %arg8[%dma_wait3A_114, %dma_wait3A_118] : memref<4x128xi32, #tpu.memory_space<vmem>> -> memref<1x128xi32, #tpu.memory_space<vmem>>
    %dma_wait3A_120 = tpu.memref_squeeze %dma_wait3A_119 : memref<1x128xi32, #tpu.memory_space<vmem>> -> memref<128xi32, #tpu.memory_space<vmem>>
    %dma_wait3A_121 = arith.constant 0 : i32
    %dma_wait3A_122 = arith.constant 0 : i32
    %dma_wait3A_123 = tpu.memref_slice %arg5[%dma_wait3A_121, %dma_wait3A_122] : memref<1000000x32xf32, #tpu.memory_space<hbm>> -> memref<1000000x32xf32, #tpu.memory_space<hbm>>
    tpu.wait_indirect_dma semaphore(%arg12 : memref<!tpu.dma_semaphore, #tpu.memory_space<semaphore_mem>>) src(%dma_wait3A_123 : memref<1000000x32xf32, #tpu.memory_space<hbm>>) dst(%dma_wait3A_117 : memref<128x32xf32, #tpu.memory_space<vmem>>)
    %dma_wait3A_124 = arith.constant 1 : i32
    %dma_wait3A_125 = arith.constant 128 : i32
    %dma_wait3A_126 = arith.constant 0 : i32
    %dma_wait3A_127 = tpu.memref_slice %arg9[%dma_wait3A_125, %dma_wait3A_126] : memref<512x32xf32, #tpu.memory_space<vmem>> -> memref<128x32xf32, #tpu.memory_space<vmem>>
    %dma_wait3A_128 = arith.constant 0 : i32
    %dma_wait3A_129 = tpu.memref_slice %arg7[%dma_wait3A_124, %dma_wait3A_128] : memref<4x128xi32, #tpu.memory_space<vmem>> -> memref<1x128xi32, #tpu.memory_space<vmem>>
    %dma_wait3A_130 = tpu.memref_squeeze %dma_wait3A_129 : memref<1x128xi32, #tpu.memory_space<vmem>> -> memref<128xi32, #tpu.memory_space<vmem>>
    %dma_wait3A_131 = arith.constant 0 : i32
    %dma_wait3A_132 = arith.constant 0 : i32
    %dma_wait3A_133 = tpu.memref_slice %arg4[%dma_wait3A_131, %dma_wait3A_132] : memref<1000000x32xf32, #tpu.memory_space<hbm>> -> memref<1000000x32xf32, #tpu.memory_space<hbm>>
    tpu.wait_indirect_dma semaphore(%arg12 : memref<!tpu.dma_semaphore, #tpu.memory_space<semaphore_mem>>) src(%dma_wait3A_133 : memref<1000000x32xf32, #tpu.memory_space<hbm>>) dst(%dma_wait3A_127 : memref<128x32xf32, #tpu.memory_space<vmem>>)
    %dma_wait3A_134 = arith.constant 1 : i32
    %dma_wait3A_135 = arith.constant 128 : i32
    %dma_wait3A_136 = arith.constant 0 : i32
    %dma_wait3A_137 = tpu.memref_slice %arg10[%dma_wait3A_135, %dma_wait3A_136] : memref<512x32xf32, #tpu.memory_space<vmem>> -> memref<128x32xf32, #tpu.memory_space<vmem>>
    %dma_wait3A_138 = arith.constant 0 : i32
    %dma_wait3A_139 = tpu.memref_slice %arg8[%dma_wait3A_134, %dma_wait3A_138] : memref<4x128xi32, #tpu.memory_space<vmem>> -> memref<1x128xi32, #tpu.memory_space<vmem>>
    %dma_wait3A_140 = tpu.memref_squeeze %dma_wait3A_139 : memref<1x128xi32, #tpu.memory_space<vmem>> -> memref<128xi32, #tpu.memory_space<vmem>>
    %dma_wait3A_141 = arith.constant 0 : i32
    %dma_wait3A_142 = arith.constant 0 : i32
    %dma_wait3A_143 = tpu.memref_slice %arg5[%dma_wait3A_141, %dma_wait3A_142] : memref<1000000x32xf32, #tpu.memory_space<hbm>> -> memref<1000000x32xf32, #tpu.memory_space<hbm>>
    tpu.wait_indirect_dma semaphore(%arg12 : memref<!tpu.dma_semaphore, #tpu.memory_space<semaphore_mem>>) src(%dma_wait3A_143 : memref<1000000x32xf32, #tpu.memory_space<hbm>>) dst(%dma_wait3A_137 : memref<128x32xf32, #tpu.memory_space<vmem>>)
    %dma_wait3A_144 = arith.constant 2 : i32
    %dma_wait3A_145 = arith.constant 256 : i32
    %dma_wait3A_146 = arith.constant 0 : i32
    %dma_wait3A_147 = tpu.memref_slice %arg9[%dma_wait3A_145, %dma_wait3A_146] : memref<512x32xf32, #tpu.memory_space<vmem>> -> memref<128x32xf32, #tpu.memory_space<vmem>>
    %dma_wait3A_148 = arith.constant 0 : i32
    %dma_wait3A_149 = tpu.memref_slice %arg7[%dma_wait3A_144, %dma_wait3A_148] : memref<4x128xi32, #tpu.memory_space<vmem>> -> memref<1x128xi32, #tpu.memory_space<vmem>>
    %dma_wait3A_150 = tpu.memref_squeeze %dma_wait3A_149 : memref<1x128xi32, #tpu.memory_space<vmem>> -> memref<128xi32, #tpu.memory_space<vmem>>
    %dma_wait3A_151 = arith.constant 0 : i32
    %dma_wait3A_152 = arith.constant 0 : i32
    %dma_wait3A_153 = tpu.memref_slice %arg4[%dma_wait3A_151, %dma_wait3A_152] : memref<1000000x32xf32, #tpu.memory_space<hbm>> -> memref<1000000x32xf32, #tpu.memory_space<hbm>>
    tpu.wait_indirect_dma semaphore(%arg12 : memref<!tpu.dma_semaphore, #tpu.memory_space<semaphore_mem>>) src(%dma_wait3A_153 : memref<1000000x32xf32, #tpu.memory_space<hbm>>) dst(%dma_wait3A_147 : memref<128x32xf32, #tpu.memory_space<vmem>>)
    %dma_wait3A_154 = arith.constant 2 : i32
    %dma_wait3A_155 = arith.constant 256 : i32
    %dma_wait3A_156 = arith.constant 0 : i32
    %dma_wait3A_157 = tpu.memref_slice %arg10[%dma_wait3A_155, %dma_wait3A_156] : memref<512x32xf32, #tpu.memory_space<vmem>> -> memref<128x32xf32, #tpu.memory_space<vmem>>
    %dma_wait3A_158 = arith.constant 0 : i32
    %dma_wait3A_159 = tpu.memref_slice %arg8[%dma_wait3A_154, %dma_wait3A_158] : memref<4x128xi32, #tpu.memory_space<vmem>> -> memref<1x128xi32, #tpu.memory_space<vmem>>
    %dma_wait3A_160 = tpu.memref_squeeze %dma_wait3A_159 : memref<1x128xi32, #tpu.memory_space<vmem>> -> memref<128xi32, #tpu.memory_space<vmem>>
    %dma_wait3A_161 = arith.constant 0 : i32
    %dma_wait3A_162 = arith.constant 0 : i32
    %dma_wait3A_163 = tpu.memref_slice %arg5[%dma_wait3A_161, %dma_wait3A_162] : memref<1000000x32xf32, #tpu.memory_space<hbm>> -> memref<1000000x32xf32, #tpu.memory_space<hbm>>
    tpu.wait_indirect_dma semaphore(%arg12 : memref<!tpu.dma_semaphore, #tpu.memory_space<semaphore_mem>>) src(%dma_wait3A_163 : memref<1000000x32xf32, #tpu.memory_space<hbm>>) dst(%dma_wait3A_157 : memref<128x32xf32, #tpu.memory_space<vmem>>)
    %dma_wait3A_164 = arith.constant 3 : i32
    %dma_wait3A_165 = arith.constant 384 : i32
    %dma_wait3A_166 = arith.constant 0 : i32
    %dma_wait3A_167 = tpu.memref_slice %arg9[%dma_wait3A_165, %dma_wait3A_166] : memref<512x32xf32, #tpu.memory_space<vmem>> -> memref<128x32xf32, #tpu.memory_space<vmem>>
    %dma_wait3A_168 = arith.constant 0 : i32
    %dma_wait3A_169 = tpu.memref_slice %arg7[%dma_wait3A_164, %dma_wait3A_168] : memref<4x128xi32, #tpu.memory_space<vmem>> -> memref<1x128xi32, #tpu.memory_space<vmem>>
    %dma_wait3A_170 = tpu.memref_squeeze %dma_wait3A_169 : memref<1x128xi32, #tpu.memory_space<vmem>> -> memref<128xi32, #tpu.memory_space<vmem>>
    %dma_wait3A_171 = arith.constant 0 : i32
    %dma_wait3A_172 = arith.constant 0 : i32
    %dma_wait3A_173 = tpu.memref_slice %arg4[%dma_wait3A_171, %dma_wait3A_172] : memref<1000000x32xf32, #tpu.memory_space<hbm>> -> memref<1000000x32xf32, #tpu.memory_space<hbm>>
    tpu.wait_indirect_dma semaphore(%arg12 : memref<!tpu.dma_semaphore, #tpu.memory_space<semaphore_mem>>) src(%dma_wait3A_173 : memref<1000000x32xf32, #tpu.memory_space<hbm>>) dst(%dma_wait3A_167 : memref<128x32xf32, #tpu.memory_space<vmem>>)
    %dma_wait3A_174 = arith.constant 3 : i32
    %dma_wait3A_175 = arith.constant 384 : i32
    %dma_wait3A_176 = arith.constant 0 : i32
    %dma_wait3A_177 = tpu.memref_slice %arg10[%dma_wait3A_175, %dma_wait3A_176] : memref<512x32xf32, #tpu.memory_space<vmem>> -> memref<128x32xf32, #tpu.memory_space<vmem>>
    %dma_wait3A_178 = arith.constant 0 : i32
    %dma_wait3A_179 = tpu.memref_slice %arg8[%dma_wait3A_174, %dma_wait3A_178] : memref<4x128xi32, #tpu.memory_space<vmem>> -> memref<1x128xi32, #tpu.memory_space<vmem>>
    %dma_wait3A_180 = tpu.memref_squeeze %dma_wait3A_179 : memref<1x128xi32, #tpu.memory_space<vmem>> -> memref<128xi32, #tpu.memory_space<vmem>>
    %dma_wait3A_181 = arith.constant 0 : i32
    %dma_wait3A_182 = arith.constant 0 : i32
    %dma_wait3A_183 = tpu.memref_slice %arg5[%dma_wait3A_181, %dma_wait3A_182] : memref<1000000x32xf32, #tpu.memory_space<hbm>> -> memref<1000000x32xf32, #tpu.memory_space<hbm>>
    tpu.wait_indirect_dma semaphore(%arg12 : memref<!tpu.dma_semaphore, #tpu.memory_space<semaphore_mem>>) src(%dma_wait3A_183 : memref<1000000x32xf32, #tpu.memory_space<hbm>>) dst(%dma_wait3A_177 : memref<128x32xf32, #tpu.memory_space<vmem>>)
    %iota3A = tpu.iota {dimensions = array<i32: 0>} : vector<16xi32>
    %scan3A = arith.constant 0 : i32
    %scan3A_184 = arith.constant 0 : i32
    %scan3A_185 = arith.constant 32 : i32
    %scan3A_186 = arith.addi %scan3A_184, %scan3A_185 : i32
    %scan3A_187 = arith.constant 1 : i32
    %scan3A_188 = scf.for %scan3A_190 = %scan3A_184 to %scan3A_186 step %scan3A_187 iter_args(%scan3A_191 = %scan3A) -> (i32)  : i32 {
      %mul3A_192 = arith.constant 16 : i32
      %mul3A_193 = arith.muli %scan3A_190, %mul3A_192 : i32
      %add3A_194 = vector.broadcast %mul3A_193 : i32 to vector<16xi32>
      %add3A_195 = arith.addi %add3A_194, %iota3A : vector<16xi32>
      %broadcast_in_dim3A = arith.constant 0.000000e+00 : f32
      %broadcast_in_dim3A_196 = vector.broadcast %broadcast_in_dim3A : f32 to vector<16xf32>
      %broadcast_in_dim3A_197 = arith.constant 0.000000e+00 : f32
      %broadcast_in_dim3A_198 = vector.broadcast %broadcast_in_dim3A_197 : f32 to vector<16xf32>
      %broadcast_in_dim3A_199 = arith.constant 0.000000e+00 : f32
      %broadcast_in_dim3A_200 = vector.broadcast %broadcast_in_dim3A_199 : f32 to vector<16xf32>
      %broadcast_in_dim3A_201 = arith.constant 0 : i32
      %broadcast_in_dim3A_202 = vector.broadcast %broadcast_in_dim3A_201 : i32 to vector<16xi32>
      %gather3A = tpu.vector_load_idx %arg9[%add3A_195, %broadcast_in_dim3A_202] : memref<512x32xf32, #tpu.memory_space<vmem>>[vector<16xi32>, vector<16xi32>], vector<16xf32>,
      %gather3A_203 = tpu.vector_load_idx %arg10[%add3A_195, %broadcast_in_dim3A_202] : memref<512x32xf32, #tpu.memory_space<vmem>>[vector<16xi32>, vector<16xi32>], vector<16xf32>,
      %mul3A_204 = arith.mulf %gather3A, %gather3A : vector<16xf32>
      %add3A_205 = arith.addf %broadcast_in_dim3A_196, %mul3A_204 : vector<16xf32>
      %mul3A_206 = arith.mulf %gather3A_203, %gather3A_203 : vector<16xf32>
      %add3A_207 = arith.addf %broadcast_in_dim3A_198, %mul3A_206 : vector<16xf32>
      %mul3A_208 = arith.mulf %gather3A, %gather3A_203 : vector<16xf32>
      %add3A_209 = arith.addf %broadcast_in_dim3A_200, %mul3A_208 : vector<16xf32>
      %broadcast_in_dim3A_210 = arith.constant 1 : i32
      %broadcast_in_dim3A_211 = vector.broadcast %broadcast_in_dim3A_210 : i32 to vector<16xi32>
      %gather3A_212 = tpu.vector_load_idx %arg9[%add3A_195, %broadcast_in_dim3A_211] : memref<512x32xf32, #tpu.memory_space<vmem>>[vector<16xi32>, vector<16xi32>], vector<16xf32>,
      %gather3A_213 = tpu.vector_load_idx %arg10[%add3A_195, %broadcast_in_dim3A_211] : memref<512x32xf32, #tpu.memory_space<vmem>>[vector<16xi32>, vector<16xi32>], vector<16xf32>,
      %mul3A_214 = arith.mulf %gather3A_212, %gather3A_212 : vector<16xf32>
      %add3A_215 = arith.addf %add3A_205, %mul3A_214 : vector<16xf32>
      %mul3A_216 = arith.mulf %gather3A_213, %gather3A_213 : vector<16xf32>
      %add3A_217 = arith.addf %add3A_207, %mul3A_216 : vector<16xf32>
      %mul3A_218 = arith.mulf %gather3A_212, %gather3A_213 : vector<16xf32>
      %add3A_219 = arith.addf %add3A_209, %mul3A_218 : vector<16xf32>
      %broadcast_in_dim3A_220 = arith.constant 2 : i32
      %broadcast_in_dim3A_221 = vector.broadcast %broadcast_in_dim3A_220 : i32 to vector<16xi32>
      %gather3A_222 = tpu.vector_load_idx %arg9[%add3A_195, %broadcast_in_dim3A_221] : memref<512x32xf32, #tpu.memory_space<vmem>>[vector<16xi32>, vector<16xi32>], vector<16xf32>,
      %gather3A_223 = tpu.vector_load_idx %arg10[%add3A_195, %broadcast_in_dim3A_221] : memref<512x32xf32, #tpu.memory_space<vmem>>[vector<16xi32>, vector<16xi32>], vector<16xf32>,
      %mul3A_224 = arith.mulf %gather3A_222, %gather3A_222 : vector<16xf32>
      %add3A_225 = arith.addf %add3A_215, %mul3A_224 : vector<16xf32>
      %mul3A_226 = arith.mulf %gather3A_223, %gather3A_223 : vector<16xf32>
      %add3A_227 = arith.addf %add3A_217, %mul3A_226 : vector<16xf32>
      %mul3A_228 = arith.mulf %gather3A_222, %gather3A_223 : vector<16xf32>
      %add3A_229 = arith.addf %add3A_219, %mul3A_228 : vector<16xf32>
      %broadcast_in_dim3A_230 = arith.constant 3 : i32
      %broadcast_in_dim3A_231 = vector.broadcast %broadcast_in_dim3A_230 : i32 to vector<16xi32>
      %gather3A_232 = tpu.vector_load_idx %arg9[%add3A_195, %broadcast_in_dim3A_231] : memref<512x32xf32, #tpu.memory_space<vmem>>[vector<16xi32>, vector<16xi32>], vector<16xf32>,
      %gather3A_233 = tpu.vector_load_idx %arg10[%add3A_195, %broadcast_in_dim3A_231] : memref<512x32xf32, #tpu.memory_space<vmem>>[vector<16xi32>, vector<16xi32>], vector<16xf32>,
      %mul3A_234 = arith.mulf %gather3A_232, %gather3A_232 : vector<16xf32>
      %add3A_235 = arith.addf %add3A_225, %mul3A_234 : vector<16xf32>
      %mul3A_236 = arith.mulf %gather3A_233, %gather3A_233 : vector<16xf32>
      %add3A_237 = arith.addf %add3A_227, %mul3A_236 : vector<16xf32>
      %mul3A_238 = arith.mulf %gather3A_232, %gather3A_233 : vector<16xf32>
      %add3A_239 = arith.addf %add3A_229, %mul3A_238 : vector<16xf32>
      %broadcast_in_dim3A_240 = arith.constant 4 : i32
      %broadcast_in_dim3A_241 = vector.broadcast %broadcast_in_dim3A_240 : i32 to vector<16xi32>
      %gather3A_242 = tpu.vector_load_idx %arg9[%add3A_195, %broadcast_in_dim3A_241] : memref<512x32xf32, #tpu.memory_space<vmem>>[vector<16xi32>, vector<16xi32>], vector<16xf32>,
      %gather3A_243 = tpu.vector_load_idx %arg10[%add3A_195, %broadcast_in_dim3A_241] : memref<512x32xf32, #tpu.memory_space<vmem>>[vector<16xi32>, vector<16xi32>], vector<16xf32>,
      %mul3A_244 = arith.mulf %gather3A_242, %gather3A_242 : vector<16xf32>
      %add3A_245 = arith.addf %add3A_235, %mul3A_244 : vector<16xf32>
      %mul3A_246 = arith.mulf %gather3A_243, %gather3A_243 : vector<16xf32>
      %add3A_247 = arith.addf %add3A_237, %mul3A_246 : vector<16xf32>
      %mul3A_248 = arith.mulf %gather3A_242, %gather3A_243 : vector<16xf32>
      %add3A_249 = arith.addf %add3A_239, %mul3A_248 : vector<16xf32>
      %broadcast_in_dim3A_250 = arith.constant 5 : i32
      %broadcast_in_dim3A_251 = vector.broadcast %broadcast_in_dim3A_250 : i32 to vector<16xi32>
      %gather3A_252 = tpu.vector_load_idx %arg9[%add3A_195, %broadcast_in_dim3A_251] : memref<512x32xf32, #tpu.memory_space<vmem>>[vector<16xi32>, vector<16xi32>], vector<16xf32>,
      %gather3A_253 = tpu.vector_load_idx %arg10[%add3A_195, %broadcast_in_dim3A_251] : memref<512x32xf32, #tpu.memory_space<vmem>>[vector<16xi32>, vector<16xi32>], vector<16xf32>,
      %mul3A_254 = arith.mulf %gather3A_252, %gather3A_252 : vector<16xf32>
      %add3A_255 = arith.addf %add3A_245, %mul3A_254 : vector<16xf32>
      %mul3A_256 = arith.mulf %gather3A_253, %gather3A_253 : vector<16xf32>
      %add3A_257 = arith.addf %add3A_247, %mul3A_256 : vector<16xf32>
      %mul3A_258 = arith.mulf %gather3A_252, %gather3A_253 : vector<16xf32>
      %add3A_259 = arith.addf %add3A_249, %mul3A_258 : vector<16xf32>
      %broadcast_in_dim3A_260 = arith.constant 6 : i32
      %broadcast_in_dim3A_261 = vector.broadcast %broadcast_in_dim3A_260 : i32 to vector<16xi32>
      %gather3A_262 = tpu.vector_load_idx %arg9[%add3A_195, %broadcast_in_dim3A_261] : memref<512x32xf32, #tpu.memory_space<vmem>>[vector<16xi32>, vector<16xi32>], vector<16xf32>,
      %gather3A_263 = tpu.vector_load_idx %arg10[%add3A_195, %broadcast_in_dim3A_261] : memref<512x32xf32, #tpu.memory_space<vmem>>[vector<16xi32>, vector<16xi32>], vector<16xf32>,
      %mul3A_264 = arith.mulf %gather3A_262, %gather3A_262 : vector<16xf32>
      %add3A_265 = arith.addf %add3A_255, %mul3A_264 : vector<16xf32>
      %mul3A_266 = arith.mulf %gather3A_263, %gather3A_263 : vector<16xf32>
      %add3A_267 = arith.addf %add3A_257, %mul3A_266 : vector<16xf32>
      %mul3A_268 = arith.mulf %gather3A_262, %gather3A_263 : vector<16xf32>
      %add3A_269 = arith.addf %add3A_259, %mul3A_268 : vector<16xf32>
      %broadcast_in_dim3A_270 = arith.constant 7 : i32
      %broadcast_in_dim3A_271 = vector.broadcast %broadcast_in_dim3A_270 : i32 to vector<16xi32>
      %gather3A_272 = tpu.vector_load_idx %arg9[%add3A_195, %broadcast_in_dim3A_271] : memref<512x32xf32, #tpu.memory_space<vmem>>[vector<16xi32>, vector<16xi32>], vector<16xf32>,
      %gather3A_273 = tpu.vector_load_idx %arg10[%add3A_195, %broadcast_in_dim3A_271] : memref<512x32xf32, #tpu.memory_space<vmem>>[vector<16xi32>, vector<16xi32>], vector<16xf32>,
      %mul3A_274 = arith.mulf %gather3A_272, %gather3A_272 : vector<16xf32>
      %add3A_275 = arith.addf %add3A_265, %mul3A_274 : vector<16xf32>
      %mul3A_276 = arith.mulf %gather3A_273, %gather3A_273 : vector<16xf32>
      %add3A_277 = arith.addf %add3A_267, %mul3A_276 : vector<16xf32>
      %mul3A_278 = arith.mulf %gather3A_272, %gather3A_273 : vector<16xf32>
      %add3A_279 = arith.addf %add3A_269, %mul3A_278 : vector<16xf32>
      %broadcast_in_dim3A_280 = arith.constant 8 : i32
      %broadcast_in_dim3A_281 = vector.broadcast %broadcast_in_dim3A_280 : i32 to vector<16xi32>
      %gather3A_282 = tpu.vector_load_idx %arg9[%add3A_195, %broadcast_in_dim3A_281] : memref<512x32xf32, #tpu.memory_space<vmem>>[vector<16xi32>, vector<16xi32>], vector<16xf32>,
      %gather3A_283 = tpu.vector_load_idx %arg10[%add3A_195, %broadcast_in_dim3A_281] : memref<512x32xf32, #tpu.memory_space<vmem>>[vector<16xi32>, vector<16xi32>], vector<16xf32>,
      %mul3A_284 = arith.mulf %gather3A_282, %gather3A_282 : vector<16xf32>
      %add3A_285 = arith.addf %add3A_275, %mul3A_284 : vector<16xf32>
      %mul3A_286 = arith.mulf %gather3A_283, %gather3A_283 : vector<16xf32>
      %add3A_287 = arith.addf %add3A_277, %mul3A_286 : vector<16xf32>
      %mul3A_288 = arith.mulf %gather3A_282, %gather3A_283 : vector<16xf32>
      %add3A_289 = arith.addf %add3A_279, %mul3A_288 : vector<16xf32>
      %broadcast_in_dim3A_290 = arith.constant 9 : i32
      %broadcast_in_dim3A_291 = vector.broadcast %broadcast_in_dim3A_290 : i32 to vector<16xi32>
      %gather3A_292 = tpu.vector_load_idx %arg9[%add3A_195, %broadcast_in_dim3A_291] : memref<512x32xf32, #tpu.memory_space<vmem>>[vector<16xi32>, vector<16xi32>], vector<16xf32>,
      %gather3A_293 = tpu.vector_load_idx %arg10[%add3A_195, %broadcast_in_dim3A_291] : memref<512x32xf32, #tpu.memory_space<vmem>>[vector<16xi32>, vector<16xi32>], vector<16xf32>,
      %mul3A_294 = arith.mulf %gather3A_292, %gather3A_292 : vector<16xf32>
      %add3A_295 = arith.addf %add3A_285, %mul3A_294 : vector<16xf32>
      %mul3A_296 = arith.mulf %gather3A_293, %gather3A_293 : vector<16xf32>
      %add3A_297 = arith.addf %add3A_287, %mul3A_296 : vector<16xf32>
      %mul3A_298 = arith.mulf %gather3A_292, %gather3A_293 : vector<16xf32>
      %add3A_299 = arith.addf %add3A_289, %mul3A_298 : vector<16xf32>
      %broadcast_in_dim3A_300 = arith.constant 10 : i32
      %broadcast_in_dim3A_301 = vector.broadcast %broadcast_in_dim3A_300 : i32 to vector<16xi32>
      %gather3A_302 = tpu.vector_load_idx %arg9[%add3A_195, %broadcast_in_dim3A_301] : memref<512x32xf32, #tpu.memory_space<vmem>>[vector<16xi32>, vector<16xi32>], vector<16xf32>,
      %gather3A_303 = tpu.vector_load_idx %arg10[%add3A_195, %broadcast_in_dim3A_301] : memref<512x32xf32, #tpu.memory_space<vmem>>[vector<16xi32>, vector<16xi32>], vector<16xf32>,
      %mul3A_304 = arith.mulf %gather3A_302, %gather3A_302 : vector<16xf32>
      %add3A_305 = arith.addf %add3A_295, %mul3A_304 : vector<16xf32>
      %mul3A_306 = arith.mulf %gather3A_303, %gather3A_303 : vector<16xf32>
      %add3A_307 = arith.addf %add3A_297, %mul3A_306 : vector<16xf32>
      %mul3A_308 = arith.mulf %gather3A_302, %gather3A_303 : vector<16xf32>
      %add3A_309 = arith.addf %add3A_299, %mul3A_308 : vector<16xf32>
      %broadcast_in_dim3A_310 = arith.constant 11 : i32
      %broadcast_in_dim3A_311 = vector.broadcast %broadcast_in_dim3A_310 : i32 to vector<16xi32>
      %gather3A_312 = tpu.vector_load_idx %arg9[%add3A_195, %broadcast_in_dim3A_311] : memref<512x32xf32, #tpu.memory_space<vmem>>[vector<16xi32>, vector<16xi32>], vector<16xf32>,
      %gather3A_313 = tpu.vector_load_idx %arg10[%add3A_195, %broadcast_in_dim3A_311] : memref<512x32xf32, #tpu.memory_space<vmem>>[vector<16xi32>, vector<16xi32>], vector<16xf32>,
      %mul3A_314 = arith.mulf %gather3A_312, %gather3A_312 : vector<16xf32>
      %add3A_315 = arith.addf %add3A_305, %mul3A_314 : vector<16xf32>
      %mul3A_316 = arith.mulf %gather3A_313, %gather3A_313 : vector<16xf32>
      %add3A_317 = arith.addf %add3A_307, %mul3A_316 : vector<16xf32>
      %mul3A_318 = arith.mulf %gather3A_312, %gather3A_313 : vector<16xf32>
      %add3A_319 = arith.addf %add3A_309, %mul3A_318 : vector<16xf32>
      %broadcast_in_dim3A_320 = arith.constant 12 : i32
      %broadcast_in_dim3A_321 = vector.broadcast %broadcast_in_dim3A_320 : i32 to vector<16xi32>
      %gather3A_322 = tpu.vector_load_idx %arg9[%add3A_195, %broadcast_in_dim3A_321] : memref<512x32xf32, #tpu.memory_space<vmem>>[vector<16xi32>, vector<16xi32>], vector<16xf32>,
      %gather3A_323 = tpu.vector_load_idx %arg10[%add3A_195, %broadcast_in_dim3A_321] : memref<512x32xf32, #tpu.memory_space<vmem>>[vector<16xi32>, vector<16xi32>], vector<16xf32>,
      %mul3A_324 = arith.mulf %gather3A_322, %gather3A_322 : vector<16xf32>
      %add3A_325 = arith.addf %add3A_315, %mul3A_324 : vector<16xf32>
      %mul3A_326 = arith.mulf %gather3A_323, %gather3A_323 : vector<16xf32>
      %add3A_327 = arith.addf %add3A_317, %mul3A_326 : vector<16xf32>
      %mul3A_328 = arith.mulf %gather3A_322, %gather3A_323 : vector<16xf32>
      %add3A_329 = arith.addf %add3A_319, %mul3A_328 : vector<16xf32>
      %broadcast_in_dim3A_330 = arith.constant 13 : i32
      %broadcast_in_dim3A_331 = vector.broadcast %broadcast_in_dim3A_330 : i32 to vector<16xi32>
      %gather3A_332 = tpu.vector_load_idx %arg9[%add3A_195, %broadcast_in_dim3A_331] : memref<512x32xf32, #tpu.memory_space<vmem>>[vector<16xi32>, vector<16xi32>], vector<16xf32>,
      %gather3A_333 = tpu.vector_load_idx %arg10[%add3A_195, %broadcast_in_dim3A_331] : memref<512x32xf32, #tpu.memory_space<vmem>>[vector<16xi32>, vector<16xi32>], vector<16xf32>,
      %mul3A_334 = arith.mulf %gather3A_332, %gather3A_332 : vector<16xf32>
      %add3A_335 = arith.addf %add3A_325, %mul3A_334 : vector<16xf32>
      %mul3A_336 = arith.mulf %gather3A_333, %gather3A_333 : vector<16xf32>
      %add3A_337 = arith.addf %add3A_327, %mul3A_336 : vector<16xf32>
      %mul3A_338 = arith.mulf %gather3A_332, %gather3A_333 : vector<16xf32>
      %add3A_339 = arith.addf %add3A_329, %mul3A_338 : vector<16xf32>
      %broadcast_in_dim3A_340 = arith.constant 14 : i32
      %broadcast_in_dim3A_341 = vector.broadcast %broadcast_in_dim3A_340 : i32 to vector<16xi32>
      %gather3A_342 = tpu.vector_load_idx %arg9[%add3A_195, %broadcast_in_dim3A_341] : memref<512x32xf32, #tpu.memory_space<vmem>>[vector<16xi32>, vector<16xi32>], vector<16xf32>,
      %gather3A_343 = tpu.vector_load_idx %arg10[%add3A_195, %broadcast_in_dim3A_341] : memref<512x32xf32, #tpu.memory_space<vmem>>[vector<16xi32>, vector<16xi32>], vector<16xf32>,
      %mul3A_344 = arith.mulf %gather3A_342, %gather3A_342 : vector<16xf32>
      %add3A_345 = arith.addf %add3A_335, %mul3A_344 : vector<16xf32>
      %mul3A_346 = arith.mulf %gather3A_343, %gather3A_343 : vector<16xf32>
      %add3A_347 = arith.addf %add3A_337, %mul3A_346 : vector<16xf32>
      %mul3A_348 = arith.mulf %gather3A_342, %gather3A_343 : vector<16xf32>
      %add3A_349 = arith.addf %add3A_339, %mul3A_348 : vector<16xf32>
      %broadcast_in_dim3A_350 = arith.constant 15 : i32
      %broadcast_in_dim3A_351 = vector.broadcast %broadcast_in_dim3A_350 : i32 to vector<16xi32>
      %gather3A_352 = tpu.vector_load_idx %arg9[%add3A_195, %broadcast_in_dim3A_351] : memref<512x32xf32, #tpu.memory_space<vmem>>[vector<16xi32>, vector<16xi32>], vector<16xf32>,
      %gather3A_353 = tpu.vector_load_idx %arg10[%add3A_195, %broadcast_in_dim3A_351] : memref<512x32xf32, #tpu.memory_space<vmem>>[vector<16xi32>, vector<16xi32>], vector<16xf32>,
      %mul3A_354 = arith.mulf %gather3A_352, %gather3A_352 : vector<16xf32>
      %add3A_355 = arith.addf %add3A_345, %mul3A_354 : vector<16xf32>
      %mul3A_356 = arith.mulf %gather3A_353, %gather3A_353 : vector<16xf32>
      %add3A_357 = arith.addf %add3A_347, %mul3A_356 : vector<16xf32>
      %mul3A_358 = arith.mulf %gather3A_352, %gather3A_353 : vector<16xf32>
      %add3A_359 = arith.addf %add3A_349, %mul3A_358 : vector<16xf32>
      %broadcast_in_dim3A_360 = arith.constant 16 : i32
      %broadcast_in_dim3A_361 = vector.broadcast %broadcast_in_dim3A_360 : i32 to vector<16xi32>
      %gather3A_362 = tpu.vector_load_idx %arg9[%add3A_195, %broadcast_in_dim3A_361] : memref<512x32xf32, #tpu.memory_space<vmem>>[vector<16xi32>, vector<16xi32>], vector<16xf32>,
      %gather3A_363 = tpu.vector_load_idx %arg10[%add3A_195, %broadcast_in_dim3A_361] : memref<512x32xf32, #tpu.memory_space<vmem>>[vector<16xi32>, vector<16xi32>], vector<16xf32>,
      %mul3A_364 = arith.mulf %gather3A_362, %gather3A_362 : vector<16xf32>
      %add3A_365 = arith.addf %add3A_355, %mul3A_364 : vector<16xf32>
      %mul3A_366 = arith.mulf %gather3A_363, %gather3A_363 : vector<16xf32>
      %add3A_367 = arith.addf %add3A_357, %mul3A_366 : vector<16xf32>
      %mul3A_368 = arith.mulf %gather3A_362, %gather3A_363 : vector<16xf32>
      %add3A_369 = arith.addf %add3A_359, %mul3A_368 : vector<16xf32>
      %broadcast_in_dim3A_370 = arith.constant 17 : i32
      %broadcast_in_dim3A_371 = vector.broadcast %broadcast_in_dim3A_370 : i32 to vector<16xi32>
      %gather3A_372 = tpu.vector_load_idx %arg9[%add3A_195, %broadcast_in_dim3A_371] : memref<512x32xf32, #tpu.memory_space<vmem>>[vector<16xi32>, vector<16xi32>], vector<16xf32>,
      %gather3A_373 = tpu.vector_load_idx %arg10[%add3A_195, %broadcast_in_dim3A_371] : memref<512x32xf32, #tpu.memory_space<vmem>>[vector<16xi32>, vector<16xi32>], vector<16xf32>,
      %mul3A_374 = arith.mulf %gather3A_372, %gather3A_372 : vector<16xf32>
      %add3A_375 = arith.addf %add3A_365, %mul3A_374 : vector<16xf32>
      %mul3A_376 = arith.mulf %gather3A_373, %gather3A_373 : vector<16xf32>
      %add3A_377 = arith.addf %add3A_367, %mul3A_376 : vector<16xf32>
      %mul3A_378 = arith.mulf %gather3A_372, %gather3A_373 : vector<16xf32>
      %add3A_379 = arith.addf %add3A_369, %mul3A_378 : vector<16xf32>
      %broadcast_in_dim3A_380 = arith.constant 18 : i32
      %broadcast_in_dim3A_381 = vector.broadcast %broadcast_in_dim3A_380 : i32 to vector<16xi32>
      %gather3A_382 = tpu.vector_load_idx %arg9[%add3A_195, %broadcast_in_dim3A_381] : memref<512x32xf32, #tpu.memory_space<vmem>>[vector<16xi32>, vector<16xi32>], vector<16xf32>,
      %gather3A_383 = tpu.vector_load_idx %arg10[%add3A_195, %broadcast_in_dim3A_381] : memref<512x32xf32, #tpu.memory_space<vmem>>[vector<16xi32>, vector<16xi32>], vector<16xf32>,
      %mul3A_384 = arith.mulf %gather3A_382, %gather3A_382 : vector<16xf32>
      %add3A_385 = arith.addf %add3A_375, %mul3A_384 : vector<16xf32>
      %mul3A_386 = arith.mulf %gather3A_383, %gather3A_383 : vector<16xf32>
      %add3A_387 = arith.addf %add3A_377, %mul3A_386 : vector<16xf32>
      %mul3A_388 = arith.mulf %gather3A_382, %gather3A_383 : vector<16xf32>
      %add3A_389 = arith.addf %add3A_379, %mul3A_388 : vector<16xf32>
      %broadcast_in_dim3A_390 = arith.constant 19 : i32
      %broadcast_in_dim3A_391 = vector.broadcast %broadcast_in_dim3A_390 : i32 to vector<16xi32>
      %gather3A_392 = tpu.vector_load_idx %arg9[%add3A_195, %broadcast_in_dim3A_391] : memref<512x32xf32, #tpu.memory_space<vmem>>[vector<16xi32>, vector<16xi32>], vector<16xf32>,
      %gather3A_393 = tpu.vector_load_idx %arg10[%add3A_195, %broadcast_in_dim3A_391] : memref<512x32xf32, #tpu.memory_space<vmem>>[vector<16xi32>, vector<16xi32>], vector<16xf32>,
      %mul3A_394 = arith.mulf %gather3A_392, %gather3A_392 : vector<16xf32>
      %add3A_395 = arith.addf %add3A_385, %mul3A_394 : vector<16xf32>
      %mul3A_396 = arith.mulf %gather3A_393, %gather3A_393 : vector<16xf32>
      %add3A_397 = arith.addf %add3A_387, %mul3A_396 : vector<16xf32>
      %mul3A_398 = arith.mulf %gather3A_392, %gather3A_393 : vector<16xf32>
      %add3A_399 = arith.addf %add3A_389, %mul3A_398 : vector<16xf32>
      %broadcast_in_dim3A_400 = arith.constant 20 : i32
      %broadcast_in_dim3A_401 = vector.broadcast %broadcast_in_dim3A_400 : i32 to vector<16xi32>
      %gather3A_402 = tpu.vector_load_idx %arg9[%add3A_195, %broadcast_in_dim3A_401] : memref<512x32xf32, #tpu.memory_space<vmem>>[vector<16xi32>, vector<16xi32>], vector<16xf32>,
      %gather3A_403 = tpu.vector_load_idx %arg10[%add3A_195, %broadcast_in_dim3A_401] : memref<512x32xf32, #tpu.memory_space<vmem>>[vector<16xi32>, vector<16xi32>], vector<16xf32>,
      %mul3A_404 = arith.mulf %gather3A_402, %gather3A_402 : vector<16xf32>
      %add3A_405 = arith.addf %add3A_395, %mul3A_404 : vector<16xf32>
      %mul3A_406 = arith.mulf %gather3A_403, %gather3A_403 : vector<16xf32>
      %add3A_407 = arith.addf %add3A_397, %mul3A_406 : vector<16xf32>
      %mul3A_408 = arith.mulf %gather3A_402, %gather3A_403 : vector<16xf32>
      %add3A_409 = arith.addf %add3A_399, %mul3A_408 : vector<16xf32>
      %broadcast_in_dim3A_410 = arith.constant 21 : i32
      %broadcast_in_dim3A_411 = vector.broadcast %broadcast_in_dim3A_410 : i32 to vector<16xi32>
      %gather3A_412 = tpu.vector_load_idx %arg9[%add3A_195, %broadcast_in_dim3A_411] : memref<512x32xf32, #tpu.memory_space<vmem>>[vector<16xi32>, vector<16xi32>], vector<16xf32>,
      %gather3A_413 = tpu.vector_load_idx %arg10[%add3A_195, %broadcast_in_dim3A_411] : memref<512x32xf32, #tpu.memory_space<vmem>>[vector<16xi32>, vector<16xi32>], vector<16xf32>,
      %mul3A_414 = arith.mulf %gather3A_412, %gather3A_412 : vector<16xf32>
      %add3A_415 = arith.addf %add3A_405, %mul3A_414 : vector<16xf32>
      %mul3A_416 = arith.mulf %gather3A_413, %gather3A_413 : vector<16xf32>
      %add3A_417 = arith.addf %add3A_407, %mul3A_416 : vector<16xf32>
      %mul3A_418 = arith.mulf %gather3A_412, %gather3A_413 : vector<16xf32>
      %add3A_419 = arith.addf %add3A_409, %mul3A_418 : vector<16xf32>
      %broadcast_in_dim3A_420 = arith.constant 22 : i32
      %broadcast_in_dim3A_421 = vector.broadcast %broadcast_in_dim3A_420 : i32 to vector<16xi32>
      %gather3A_422 = tpu.vector_load_idx %arg9[%add3A_195, %broadcast_in_dim3A_421] : memref<512x32xf32, #tpu.memory_space<vmem>>[vector<16xi32>, vector<16xi32>], vector<16xf32>,
      %gather3A_423 = tpu.vector_load_idx %arg10[%add3A_195, %broadcast_in_dim3A_421] : memref<512x32xf32, #tpu.memory_space<vmem>>[vector<16xi32>, vector<16xi32>], vector<16xf32>,
      %mul3A_424 = arith.mulf %gather3A_422, %gather3A_422 : vector<16xf32>
      %add3A_425 = arith.addf %add3A_415, %mul3A_424 : vector<16xf32>
      %mul3A_426 = arith.mulf %gather3A_423, %gather3A_423 : vector<16xf32>
      %add3A_427 = arith.addf %add3A_417, %mul3A_426 : vector<16xf32>
      %mul3A_428 = arith.mulf %gather3A_422, %gather3A_423 : vector<16xf32>
      %add3A_429 = arith.addf %add3A_419, %mul3A_428 : vector<16xf32>
      %broadcast_in_dim3A_430 = arith.constant 23 : i32
      %broadcast_in_dim3A_431 = vector.broadcast %broadcast_in_dim3A_430 : i32 to vector<16xi32>
      %gather3A_432 = tpu.vector_load_idx %arg9[%add3A_195, %broadcast_in_dim3A_431] : memref<512x32xf32, #tpu.memory_space<vmem>>[vector<16xi32>, vector<16xi32>], vector<16xf32>,
      %gather3A_433 = tpu.vector_load_idx %arg10[%add3A_195, %broadcast_in_dim3A_431] : memref<512x32xf32, #tpu.memory_space<vmem>>[vector<16xi32>, vector<16xi32>], vector<16xf32>,
      %mul3A_434 = arith.mulf %gather3A_432, %gather3A_432 : vector<16xf32>
      %add3A_435 = arith.addf %add3A_425, %mul3A_434 : vector<16xf32>
      %mul3A_436 = arith.mulf %gather3A_433, %gather3A_433 : vector<16xf32>
      %add3A_437 = arith.addf %add3A_427, %mul3A_436 : vector<16xf32>
      %mul3A_438 = arith.mulf %gather3A_432, %gather3A_433 : vector<16xf32>
      %add3A_439 = arith.addf %add3A_429, %mul3A_438 : vector<16xf32>
      %broadcast_in_dim3A_440 = arith.constant 24 : i32
      %broadcast_in_dim3A_441 = vector.broadcast %broadcast_in_dim3A_440 : i32 to vector<16xi32>
      %gather3A_442 = tpu.vector_load_idx %arg9[%add3A_195, %broadcast_in_dim3A_441] : memref<512x32xf32, #tpu.memory_space<vmem>>[vector<16xi32>, vector<16xi32>], vector<16xf32>,
      %gather3A_443 = tpu.vector_load_idx %arg10[%add3A_195, %broadcast_in_dim3A_441] : memref<512x32xf32, #tpu.memory_space<vmem>>[vector<16xi32>, vector<16xi32>], vector<16xf32>,
      %mul3A_444 = arith.mulf %gather3A_442, %gather3A_442 : vector<16xf32>
      %add3A_445 = arith.addf %add3A_435, %mul3A_444 : vector<16xf32>
      %mul3A_446 = arith.mulf %gather3A_443, %gather3A_443 : vector<16xf32>
      %add3A_447 = arith.addf %add3A_437, %mul3A_446 : vector<16xf32>
      %mul3A_448 = arith.mulf %gather3A_442, %gather3A_443 : vector<16xf32>
      %add3A_449 = arith.addf %add3A_439, %mul3A_448 : vector<16xf32>
      %broadcast_in_dim3A_450 = arith.constant 25 : i32
      %broadcast_in_dim3A_451 = vector.broadcast %broadcast_in_dim3A_450 : i32 to vector<16xi32>
      %gather3A_452 = tpu.vector_load_idx %arg9[%add3A_195, %broadcast_in_dim3A_451] : memref<512x32xf32, #tpu.memory_space<vmem>>[vector<16xi32>, vector<16xi32>], vector<16xf32>,
      %gather3A_453 = tpu.vector_load_idx %arg10[%add3A_195, %broadcast_in_dim3A_451] : memref<512x32xf32, #tpu.memory_space<vmem>>[vector<16xi32>, vector<16xi32>], vector<16xf32>,
      %mul3A_454 = arith.mulf %gather3A_452, %gather3A_452 : vector<16xf32>
      %add3A_455 = arith.addf %add3A_445, %mul3A_454 : vector<16xf32>
      %mul3A_456 = arith.mulf %gather3A_453, %gather3A_453 : vector<16xf32>
      %add3A_457 = arith.addf %add3A_447, %mul3A_456 : vector<16xf32>
      %mul3A_458 = arith.mulf %gather3A_452, %gather3A_453 : vector<16xf32>
      %add3A_459 = arith.addf %add3A_449, %mul3A_458 : vector<16xf32>
      %broadcast_in_dim3A_460 = arith.constant 26 : i32
      %broadcast_in_dim3A_461 = vector.broadcast %broadcast_in_dim3A_460 : i32 to vector<16xi32>
      %gather3A_462 = tpu.vector_load_idx %arg9[%add3A_195, %broadcast_in_dim3A_461] : memref<512x32xf32, #tpu.memory_space<vmem>>[vector<16xi32>, vector<16xi32>], vector<16xf32>,
      %gather3A_463 = tpu.vector_load_idx %arg10[%add3A_195, %broadcast_in_dim3A_461] : memref<512x32xf32, #tpu.memory_space<vmem>>[vector<16xi32>, vector<16xi32>], vector<16xf32>,
      %mul3A_464 = arith.mulf %gather3A_462, %gather3A_462 : vector<16xf32>
      %add3A_465 = arith.addf %add3A_455, %mul3A_464 : vector<16xf32>
      %mul3A_466 = arith.mulf %gather3A_463, %gather3A_463 : vector<16xf32>
      %add3A_467 = arith.addf %add3A_457, %mul3A_466 : vector<16xf32>
      %mul3A_468 = arith.mulf %gather3A_462, %gather3A_463 : vector<16xf32>
      %add3A_469 = arith.addf %add3A_459, %mul3A_468 : vector<16xf32>
      %broadcast_in_dim3A_470 = arith.constant 27 : i32
      %broadcast_in_dim3A_471 = vector.broadcast %broadcast_in_dim3A_470 : i32 to vector<16xi32>
      %gather3A_472 = tpu.vector_load_idx %arg9[%add3A_195, %broadcast_in_dim3A_471] : memref<512x32xf32, #tpu.memory_space<vmem>>[vector<16xi32>, vector<16xi32>], vector<16xf32>,
      %gather3A_473 = tpu.vector_load_idx %arg10[%add3A_195, %broadcast_in_dim3A_471] : memref<512x32xf32, #tpu.memory_space<vmem>>[vector<16xi32>, vector<16xi32>], vector<16xf32>,
      %mul3A_474 = arith.mulf %gather3A_472, %gather3A_472 : vector<16xf32>
      %add3A_475 = arith.addf %add3A_465, %mul3A_474 : vector<16xf32>
      %mul3A_476 = arith.mulf %gather3A_473, %gather3A_473 : vector<16xf32>
      %add3A_477 = arith.addf %add3A_467, %mul3A_476 : vector<16xf32>
      %mul3A_478 = arith.mulf %gather3A_472, %gather3A_473 : vector<16xf32>
      %add3A_479 = arith.addf %add3A_469, %mul3A_478 : vector<16xf32>
      %broadcast_in_dim3A_480 = arith.constant 28 : i32
      %broadcast_in_dim3A_481 = vector.broadcast %broadcast_in_dim3A_480 : i32 to vector<16xi32>
      %gather3A_482 = tpu.vector_load_idx %arg9[%add3A_195, %broadcast_in_dim3A_481] : memref<512x32xf32, #tpu.memory_space<vmem>>[vector<16xi32>, vector<16xi32>], vector<16xf32>,
      %gather3A_483 = tpu.vector_load_idx %arg10[%add3A_195, %broadcast_in_dim3A_481] : memref<512x32xf32, #tpu.memory_space<vmem>>[vector<16xi32>, vector<16xi32>], vector<16xf32>,
      %mul3A_484 = arith.mulf %gather3A_482, %gather3A_482 : vector<16xf32>
      %add3A_485 = arith.addf %add3A_475, %mul3A_484 : vector<16xf32>
      %mul3A_486 = arith.mulf %gather3A_483, %gather3A_483 : vector<16xf32>
      %add3A_487 = arith.addf %add3A_477, %mul3A_486 : vector<16xf32>
      %mul3A_488 = arith.mulf %gather3A_482, %gather3A_483 : vector<16xf32>
      %add3A_489 = arith.addf %add3A_479, %mul3A_488 : vector<16xf32>
      %broadcast_in_dim3A_490 = arith.constant 29 : i32
      %broadcast_in_dim3A_491 = vector.broadcast %broadcast_in_dim3A_490 : i32 to vector<16xi32>
      %gather3A_492 = tpu.vector_load_idx %arg9[%add3A_195, %broadcast_in_dim3A_491] : memref<512x32xf32, #tpu.memory_space<vmem>>[vector<16xi32>, vector<16xi32>], vector<16xf32>,
      %gather3A_493 = tpu.vector_load_idx %arg10[%add3A_195, %broadcast_in_dim3A_491] : memref<512x32xf32, #tpu.memory_space<vmem>>[vector<16xi32>, vector<16xi32>], vector<16xf32>,
      %mul3A_494 = arith.mulf %gather3A_492, %gather3A_492 : vector<16xf32>
      %add3A_495 = arith.addf %add3A_485, %mul3A_494 : vector<16xf32>
      %mul3A_496 = arith.mulf %gather3A_493, %gather3A_493 : vector<16xf32>
      %add3A_497 = arith.addf %add3A_487, %mul3A_496 : vector<16xf32>
      %mul3A_498 = arith.mulf %gather3A_492, %gather3A_493 : vector<16xf32>
      %add3A_499 = arith.addf %add3A_489, %mul3A_498 : vector<16xf32>
      %broadcast_in_dim3A_500 = arith.constant 30 : i32
      %broadcast_in_dim3A_501 = vector.broadcast %broadcast_in_dim3A_500 : i32 to vector<16xi32>
      %gather3A_502 = tpu.vector_load_idx %arg9[%add3A_195, %broadcast_in_dim3A_501] : memref<512x32xf32, #tpu.memory_space<vmem>>[vector<16xi32>, vector<16xi32>], vector<16xf32>,
      %gather3A_503 = tpu.vector_load_idx %arg10[%add3A_195, %broadcast_in_dim3A_501] : memref<512x32xf32, #tpu.memory_space<vmem>>[vector<16xi32>, vector<16xi32>], vector<16xf32>,
      %mul3A_504 = arith.mulf %gather3A_502, %gather3A_502 : vector<16xf32>
      %add3A_505 = arith.addf %add3A_495, %mul3A_504 : vector<16xf32>
      %mul3A_506 = arith.mulf %gather3A_503, %gather3A_503 : vector<16xf32>
      %add3A_507 = arith.addf %add3A_497, %mul3A_506 : vector<16xf32>
      %mul3A_508 = arith.mulf %gather3A_502, %gather3A_503 : vector<16xf32>
      %add3A_509 = arith.addf %add3A_499, %mul3A_508 : vector<16xf32>
      %broadcast_in_dim3A_510 = arith.constant 31 : i32
      %broadcast_in_dim3A_511 = vector.broadcast %broadcast_in_dim3A_510 : i32 to vector<16xi32>
      %gather3A_512 = tpu.vector_load_idx %arg9[%add3A_195, %broadcast_in_dim3A_511] : memref<512x32xf32, #tpu.memory_space<vmem>>[vector<16xi32>, vector<16xi32>], vector<16xf32>,
      %gather3A_513 = tpu.vector_load_idx %arg10[%add3A_195, %broadcast_in_dim3A_511] : memref<512x32xf32, #tpu.memory_space<vmem>>[vector<16xi32>, vector<16xi32>], vector<16xf32>,
      %mul3A_514 = arith.mulf %gather3A_512, %gather3A_512 : vector<16xf32>
      %add3A_515 = arith.addf %add3A_505, %mul3A_514 : vector<16xf32>
      %mul3A_516 = arith.mulf %gather3A_513, %gather3A_513 : vector<16xf32>
      %add3A_517 = arith.addf %add3A_507, %mul3A_516 : vector<16xf32>
      %mul3A_518 = arith.mulf %gather3A_512, %gather3A_513 : vector<16xf32>
      %add3A_519 = arith.addf %add3A_509, %mul3A_518 : vector<16xf32>
      %bitcast3A = vector.bitcast %add3A_515 : vector<16xf32> to vector<16xi32>
      %shift_right_arithmetic3A = arith.constant 1 : i32
      %shift_right_arithmetic3A_520 = vector.broadcast %shift_right_arithmetic3A : i32 to vector<16xi32>
      %shift_right_arithmetic3A_521 = arith.shrsi %bitcast3A, %shift_right_arithmetic3A_520 : vector<16xi32>
      %sub3A = arith.constant 1597463007 : i32
      %sub3A_522 = vector.broadcast %sub3A : i32 to vector<16xi32>
      %sub3A_523 = arith.subi %sub3A_522, %shift_right_arithmetic3A_521 : vector<16xi32>
      %bitcast3A_524 = vector.bitcast %sub3A_523 : vector<16xi32> to vector<16xf32>
      %mul3A_525 = arith.constant 5.000000e-01 : f32
      %mul3A_526 = vector.broadcast %mul3A_525 : f32 to vector<16xf32>
      %mul3A_527 = arith.mulf %mul3A_526, %add3A_515 : vector<16xf32>
      %mul3A_528 = arith.mulf %mul3A_527, %bitcast3A_524 : vector<16xf32>
      %mul3A_529 = arith.mulf %mul3A_528, %bitcast3A_524 : vector<16xf32>
      %sub3A_530 = arith.constant 1.500000e+00 : f32
      %sub3A_531 = vector.broadcast %sub3A_530 : f32 to vector<16xf32>
      %sub3A_532 = arith.subf %sub3A_531, %mul3A_529 : vector<16xf32>
      %mul3A_533 = arith.mulf %bitcast3A_524, %sub3A_532 : vector<16xf32>
      %mul3A_534 = arith.mulf %mul3A_527, %mul3A_533 : vector<16xf32>
      %mul3A_535 = arith.mulf %mul3A_534, %mul3A_533 : vector<16xf32>
      %sub3A_536 = arith.constant 1.500000e+00 : f32
      %sub3A_537 = vector.broadcast %sub3A_536 : f32 to vector<16xf32>
      %sub3A_538 = arith.subf %sub3A_537, %mul3A_535 : vector<16xf32>
      %mul3A_539 = arith.mulf %mul3A_533, %sub3A_538 : vector<16xf32>
      %mul3A_540 = arith.mulf %mul3A_527, %mul3A_539 : vector<16xf32>
      %mul3A_541 = arith.mulf %mul3A_540, %mul3A_539 : vector<16xf32>
      %sub3A_542 = arith.constant 1.500000e+00 : f32
      %sub3A_543 = vector.broadcast %sub3A_542 : f32 to vector<16xf32>
      %sub3A_544 = arith.subf %sub3A_543, %mul3A_541 : vector<16xf32>
      %mul3A_545 = arith.mulf %mul3A_539, %sub3A_544 : vector<16xf32>
      %min3A = arith.constant 1.000000e+00 : f32
      %min3A_546 = vector.broadcast %min3A : f32 to vector<16xf32>
      %min3A_547 = arith.minimumf %min3A_546, %mul3A_545 : vector<16xf32>
      %bitcast3A_548 = vector.bitcast %add3A_517 : vector<16xf32> to vector<16xi32>
      %shift_right_arithmetic3A_549 = arith.constant 1 : i32
      %shift_right_arithmetic3A_550 = vector.broadcast %shift_right_arithmetic3A_549 : i32 to vector<16xi32>
      %shift_right_arithmetic3A_551 = arith.shrsi %bitcast3A_548, %shift_right_arithmetic3A_550 : vector<16xi32>
      %sub3A_552 = arith.constant 1597463007 : i32
      %sub3A_553 = vector.broadcast %sub3A_552 : i32 to vector<16xi32>
      %sub3A_554 = arith.subi %sub3A_553, %shift_right_arithmetic3A_551 : vector<16xi32>
      %bitcast3A_555 = vector.bitcast %sub3A_554 : vector<16xi32> to vector<16xf32>
      %mul3A_556 = arith.constant 5.000000e-01 : f32
      %mul3A_557 = vector.broadcast %mul3A_556 : f32 to vector<16xf32>
      %mul3A_558 = arith.mulf %mul3A_557, %add3A_517 : vector<16xf32>
      %mul3A_559 = arith.mulf %mul3A_558, %bitcast3A_555 : vector<16xf32>
      %mul3A_560 = arith.mulf %mul3A_559, %bitcast3A_555 : vector<16xf32>
      %sub3A_561 = arith.constant 1.500000e+00 : f32
      %sub3A_562 = vector.broadcast %sub3A_561 : f32 to vector<16xf32>
      %sub3A_563 = arith.subf %sub3A_562, %mul3A_560 : vector<16xf32>
      %mul3A_564 = arith.mulf %bitcast3A_555, %sub3A_563 : vector<16xf32>
      %mul3A_565 = arith.mulf %mul3A_558, %mul3A_564 : vector<16xf32>
      %mul3A_566 = arith.mulf %mul3A_565, %mul3A_564 : vector<16xf32>
      %sub3A_567 = arith.constant 1.500000e+00 : f32
      %sub3A_568 = vector.broadcast %sub3A_567 : f32 to vector<16xf32>
      %sub3A_569 = arith.subf %sub3A_568, %mul3A_566 : vector<16xf32>
      %mul3A_570 = arith.mulf %mul3A_564, %sub3A_569 : vector<16xf32>
      %mul3A_571 = arith.mulf %mul3A_558, %mul3A_570 : vector<16xf32>
      %mul3A_572 = arith.mulf %mul3A_571, %mul3A_570 : vector<16xf32>
      %sub3A_573 = arith.constant 1.500000e+00 : f32
      %sub3A_574 = vector.broadcast %sub3A_573 : f32 to vector<16xf32>
      %sub3A_575 = arith.subf %sub3A_574, %mul3A_572 : vector<16xf32>
      %mul3A_576 = arith.mulf %mul3A_570, %sub3A_575 : vector<16xf32>
      %min3A_577 = arith.constant 1.000000e+00 : f32
      %min3A_578 = vector.broadcast %min3A_577 : f32 to vector<16xf32>
      %min3A_579 = arith.minimumf %min3A_578, %mul3A_576 : vector<16xf32>
      %mul3A_580 = arith.mulf %add3A_519, %min3A_547 : vector<16xf32>
      %mul3A_581 = arith.mulf %mul3A_580, %min3A_579 : vector<16xf32>
      %neg3A = arith.constant 0.000000e+00 : f32
      %neg3A_582 = vector.broadcast %neg3A : f32 to vector<16xf32>
      %neg3A_583 = arith.subf %neg3A_582, %mul3A_581 : vector<16xf32>
      %exp3A = math.exp %neg3A_583 : vector<16xf32>
      %add3A_584 = arith.constant 1.000000e+00 : f32
      %add3A_585 = vector.broadcast %add3A_584 : f32 to vector<16xf32>
      %add3A_586 = arith.addf %add3A_585, %exp3A : vector<16xf32>
      %div3A = arith.constant 1.000000e+00 : f32
      %div3A_587 = vector.broadcast %div3A : f32 to vector<16xf32>
      %div3A_588 = arith.divf %div3A_587, %add3A_586 : vector<16xf32>
      %mul3A_589 = arith.constant 16 : i32
      %mul3A_590 = arith.muli %scan3A_190, %mul3A_589 : i32
      %swap3A = arith.index_cast %mul3A_590 : i32 to index
      %swap3A_591 = tpu.vector_load %arg11[%swap3A] {strides = array<i32>} : memref<512xf32, #tpu.memory_space<vmem>>, vector<16xf32>,
      tpu.vector_store %arg11[%swap3A], %div3A_588 {strides = array<i32>} : memref<512xf32, #tpu.memory_space<vmem>>, vector<16xf32>,
      %scan3A_592 = arith.constant 0 : i32
      scf.yield %scan3A_592 : i32
    }
    %scan3A_189 = arith.constant 32 : i32
    "tpu.region"() ({
      %run_scoped3A_190 = tpu.sem_alloc : memref<!tpu.dma_semaphore, #tpu.memory_space<semaphore_mem>>
      %dma_start3A_191 = tpu.memref_slice %arg6[%mul3A_2] : memref<16384xf32, #tpu.memory_space<hbm>> -> memref<512xf32, #tpu.memory_space<hbm>>
      %dma_start3A_192 = tpu.memref_slice %arg6[%mul3A_2] : memref<16384xf32, #tpu.memory_space<hbm>> -> memref<512xf32, #tpu.memory_space<hbm>>
      tpu.enqueue_dma source(%arg11 : memref<512xf32, #tpu.memory_space<vmem>>) target(%dma_start3A_192 : memref<512xf32, #tpu.memory_space<hbm>>) target_semaphore(%run_scoped3A_190 : memref<!tpu.dma_semaphore, #tpu.memory_space<semaphore_mem>>)
      %dma_wait3A_193 = tpu.memref_slice %arg6[%mul3A_2] : memref<16384xf32, #tpu.memory_space<hbm>> -> memref<512xf32, #tpu.memory_space<hbm>>
      %dma_wait3A_194 = tpu.memref_slice %arg6[%mul3A_2] : memref<16384xf32, #tpu.memory_space<hbm>> -> memref<512xf32, #tpu.memory_space<hbm>>
      tpu.wait_dma2 semaphore(%run_scoped3A_190 : memref<!tpu.dma_semaphore, #tpu.memory_space<semaphore_mem>>) src(%arg11 : memref<512xf32, #tpu.memory_space<vmem>>) dst(%dma_wait3A_194 : memref<512xf32, #tpu.memory_space<hbm>>)
      tpu.yield
    }) : () -> ()
    return
  }
}

</mosaic_0001>

<sc_bundles>
// kernel: kernel.3.cloned.1.call-start
scs
__scs_entry_jumppad:
0x0: {  	(pc) =	sbr.rel $0x88, $3  }
0x1: {  	(tag) =	ssettag $0x0;
	lr =	simm.s32 $0x1  }
0x2: {  	[smem:$0x3F9D] =	sst lr;
	_ =	strace $0xD0000000  }
0x3: {  	_ = 	snop  }
0x4: {  	_ = 	snop  }
0x5: {  	_ = 	snop  }
0x6: {  	_ = 	snop  }
0x7: {  	_ = 	snop  }
__scs_overlays_trampoline_lowered:
0x8: {  	[smem:$0x3FAC] =	sst s0  }
0x9: {  	[smem:$0x3FAD] =	sst s1  }
0xa: {  	[smem:$0x3FAE] =	sst s2  }
0xb: {  	[smem:$0x3FAF] =	sst s3  }
0xc: {  	[smem:$0x3FB0] =	sst s4  }
0xd: {  	[smem:$0x3FB1] =	sst s5  }
0xe: {  	[smem:$0x3FB2] =	sst s6  }
0xf: {  	[smem:$0x3FB3] =	sst s7  }
0x10: {  	[smem:$0x3FB4] =	sst s8  }
0x11: {  	[smem:$0x3FB5] =	sst s9;
	s0 =	simm.s32 @!p0 $0x0  }
0x12: {  	s1 =	sld [smem:$0x3F9B];
	s0 =	simm.s32 @p0 $0x1  }
0x13: {  	[smem:$0x3FB6] =	sst s0;
	s0 =	simm.s32 @!p1 $0x0  }
0x14: {  	s2 =	sld [smem:$0x3F9A];
	s0 =	simm.s32 @p1 $0x1  }
0x15: {  	[smem:$0x3FB7] =	sst s0;
	s0 =	simm.s32 @!p2 $0x0  }
0x16: {  	s3 =	sld [smem:$0x3FDB];
	s0 =	simm.s32 @p2 $0x1  }
0x17: {  	s4 =	simm.s32 $0x1BF5;
	[smem:$0x3FB9] =	sst s0  }
0x18: {  	s0 =	sld [smem:$0x3F9C];
	_ =	swait.ge [sflag:s4], $0x0  }
0x19: {  	s7 =	sld [smem:$0x3F9D]  }
0x1a: {  	s8 =	sadd.s32 $0xFFFFE003, lr  }
0x1b: {  	s9 =	sadd.s32 $0xFFFFFEF7, lr;
	s5 =	simm.s32 $0xFFFFFFFF;
	p2 =	slt.u32 s8, $0xFFFFF086  }
0x1c: {  	p1 =	slt.u32 s9, $0xF7A;
	s5 =	simm.s32 @!p2 $0x0  }
0x1d: {  	s5 =	simm.s32 @p1 $0x1;
	p0 =	seq.s32 s7, s2  }
0x1e: {  	s7 =	smul.u32 @!p0 $0xF7A, s2;
	p2 =	seq.s32 @!p0 s5, $0x0  }
0x1f: {  	s9 =	smul.u32 $0xF7A, s1;
	s8 =	simm.s32 @!p0 $0x1BF5;
	p2 =	por !p2, p0  }
0x20: {  	[sflag:s8] =	ssyncset.s32 @!p0 $0xFFFFF086;
	s6 =	sadd.s32 @!p0 s3, s7;
	s7 =	simm.s32 @!p0 $0x108  }
0x21: {  	s3 =	sadd.s32 s3, s9;
	s6 =	sadd.s32 @!p0 $0x88, s6;
	s7 =	simm.s32 @p2 $0x1082  }
0x22: {  	[simem:s7], [sflag:s8] =	dma.local @!p0 [hbm:s6], $0xF7A  }
0x23: {  	s9 =	sor.u32 $0xD0000000, s2;
	s6 =	simm.s32 $0x108;
	_ =	swait.ge @!p0 [sflag:s8], $0x0  }
0x24: {  	s3 =	sadd.s32 $0x88, s3;
	s6 =	simm.s32 @!p1 $0x1082;
	[sflag:s4] =	ssyncset.s32 $0xFFFFF086  }
0x25: {  	[simem:s6], [sflag:s4] =	dma.local [hbm:s3], $0xF7A  }
0x26: {  	[smem:$0x3F9D] =	sst s1;
	(tag) =	ssettag s2;
	_ =	strace s9  }
0x27: {  	s1 =	sld [smem:$0x3FAD]  }
0x28: {  	s2 =	sld [smem:$0x3FAE]  }
0x29: {  	s4 =	sld [smem:$0x3FB0]  }
0x2a: {  	p0 =	seq.s32 s5, $0x0;
	s5 =	sld [smem:$0x3FB1]  }
0x2b: {  	s6 =	sld [smem:$0x3FB2]  }
0x2c: {  	s7 =	sld [smem:$0x3FB3]  }
0x2d: {  	s3 =	simm.s32 $0x108;
	s8 =	sld [smem:$0x3FB4]  }
0x2e: {  	s3 =	simm.s32 @!p0 $0x1082;
	s9 =	sld [smem:$0x3FB5]  }
0x2f: {  	lr =	sadd.s32 s0, s3;
	s0 =	sld [smem:$0x3FAC]  }
0x30: {  	s3 =	sld [smem:$0x3FAF]  }
0x31: {  	[smem:$0x3FB8] =	sst s10  }
0x32: {  	s10 =	sld [smem:$0x3FB6];
	_ =	sdelay $0x3  }
0x33: {  	p0 =	seq.s32 s10, $0x1;
	s10 =	sld [smem:$0x3FB8];
	_ =	sdelay $0x3  }
0x34: {  	[smem:$0x3FB8] =	sst s10  }
0x35: {  	s10 =	sld [smem:$0x3FB7];
	_ =	sdelay $0x3  }
0x36: {  	p1 =	seq.s32 s10, $0x1;
	s10 =	sld [smem:$0x3FB8];
	_ =	sdelay $0x3  }
0x37: {  	[smem:$0x3FB8] =	sst s10  }
0x38: {  	s10 =	sld [smem:$0x3FB9]  }
0x39: {  	_ = 	snop;
	(pc) =	sbr.ind lr, $3  }
0x3a: {  	_ = 	snop  }
0x3b: {  	_ = 	snop  }
0x3c: {  	p2 =	seq.s32 s10, $0x1;
	s10 =	sld [smem:$0x3FB8]  }
0x3d: {  	_ =	shalt  }
0x3e: {  	_ =	shalt  }
0x3f: {  	_ =	shalt  }
0x40: {  	_ =	shalt  }
0x41: {  	_ =	shalt  }
0x42: {  	_ =	shalt  }
0x43: {  	_ =	shalt  }
0x44: {  	_ =	shalt  }
0x45: {  	_ =	shalt  }
0x46: {  	_ =	shalt  }
0x47: {  	_ =	shalt  }
0x48: {  	_ =	shalt  }
0x49: {  	_ =	shalt  }
0x4a: {  	_ =	shalt  }
0x4b: {  	_ =	shalt  }
0x4c: {  	_ =	shalt  }
0x4d: {  	_ =	shalt  }
0x4e: {  	_ =	shalt  }
0x4f: {  	_ =	shalt  }
0x50: {  	_ =	shalt  }
0x51: {  	_ =	shalt  }
0x52: {  	_ =	shalt  }
0x53: {  	_ =	shalt  }
0x54: {  	_ =	shalt  }
0x55: {  	_ =	shalt  }
0x56: {  	_ =	shalt  }
0x57: {  	_ =	shalt  }
0x58: {  	_ =	shalt  }
0x59: {  	_ =	shalt  }
0x5a: {  	_ =	shalt  }
0x5b: {  	_ =	shalt  }
0x5c: {  	_ =	shalt  }
0x5d: {  	_ =	shalt  }
0x5e: {  	_ =	shalt  }
0x5f: {  	_ =	shalt  }
0x60: {  	_ =	shalt  }
0x61: {  	_ =	shalt  }
0x62: {  	_ =	shalt  }
0x63: {  	_ =	shalt  }
0x64: {  	_ =	shalt  }
0x65: {  	_ =	shalt  }
0x66: {  	_ =	shalt  }
0x67: {  	_ =	shalt  }
0x68: {  	_ =	shalt  }
0x69: {  	_ =	shalt  }
0x6a: {  	_ =	shalt  }
0x6b: {  	_ =	shalt  }
0x6c: {  	_ =	shalt  }
0x6d: {  	_ =	shalt  }
0x6e: {  	_ =	shalt  }
0x6f: {  	_ =	shalt  }
0x70: {  	_ =	shalt  }
0x71: {  	_ =	shalt  }
0x72: {  	_ =	shalt  }
0x73: {  	_ =	shalt  }
0x74: {  	_ =	shalt  }
0x75: {  	_ =	shalt  }
0x76: {  	_ =	shalt  }
0x77: {  	_ =	shalt  }
0x78: {  	_ =	shalt  }
0x79: {  	_ =	shalt  }
0x7a: {  	_ =	shalt  }
0x7b: {  	_ =	shalt  }
0x7c: {  	_ =	shalt  }
0x7d: {  	_ =	shalt  }
0x7e: {  	_ =	shalt  }
0x7f: {  	_ =	shalt  }
0x80: {  	_ =	shalt  }
0x81: {  	_ =	shalt  }
0x82: {  	_ =	shalt  }
0x83: {  	_ =	shalt  }
0x84: {  	_ =	shalt  }
0x85: {  	_ =	shalt  }
0x86: {  	_ =	shalt  }
0x87: {  	_ =	shalt  }
.Lfunc_end0:
.L_simem_size_0:
called_computation.2_lowered:
.L_overlay_start_0:
0x88: {  	s2 =	sld [smem:$0x3FD9]  }
0x89: {  	s3 =	sld [smem:$0x3FFE];
	_ =	sdelay $0x1  }
0x8a: {  	s1 =	srdreg.scid  }
0x8b: {  	s0 =	sand.u32 $0x1, s1  }
0x8c: {  	s17 =	sshll.u32 s0, $0xA;
	s2 =	sadd.s32 s3, s2  }
0x8d: {  	s2 =	sadd.s32 s2, s17  }
0x8e: {  	[smem:$0x3FC4] =	sst s2  }
0x8f: {  	_ = 	snop  }
0x90: {  	s2 =	sld [smem:$0x3FC9]  }
0x91: {  	s18 =	sld [smem:$0x3FC8]  }
0x92: {  	s4 =	sld [smem:$0x3FD0];
	(tm) =	ssettm $0x1  }
0x93: {  	s5 =	sld [smem:$0x3FFB];
	_ =	sdelay $0x3  }
0x94: {  	_ =	strace s5  }
0x95: {  	s5 =	sld [smem:$0x3FFC];
	_ =	sdelay $0x3  }
0x96: {  	_ =	strace s5  }
0x97: {  	s5 =	sld [smem:$0x3FFD];
	_ =	sdelay $0x3  }
0x98: {  	_ =	strace s5  }
0x99: {  	_ =	strace $0x8FFFFFFF  }
0x9a: {  	s19 =	sld [smem:$0x3FDB];
	_ =	sdelay $0x1  }
0x9b: {  	s6 =	simm.s32 $_scs_section_size  }
0x9c: {  	s7 =	simm.s32 $_size__tile_overlayer_lowered;
	s8 =	simm.s32 $_tile_overlayer_lowered  }
0x9d: {  	s22 =	simm.s32 $0x1BFF;
	s21 =	sshll.u32 s8, $0x1;
	s5 =	sadd.s32 s6, s19  }
0x9e: {  	s9 =	simm.s32 $0x0;
	s20 =	sshll.u32 s7, $0x1;
	s7 =	sadd.s32 s21, s5  }
0x9f: {  	[timem:s9], [sflag:s22] =	dma.local [hbm:s7], s20  }
0xa0: {  	_ =	swait.ge [sflag:s22], s20  }
0xa1: {  	s6 =	ssub.s32 $0x0, s20;
	[sflag:s22] =	ssyncset.done $0x0  }
0xa2: {  	[sflag:s22] =	ssyncadd.s32 s6;
	_ =	sdelay $0x1  }
0xa3: {  	s23 =	simm.s32 $0x1B8B  }
0xa4: {  	_ =	swait.ge [sflag:s23], $0x1  }
0xa5: {  	[sflag:s23] =	ssyncset.done $0x0  }
0xa6: {  	s25 =	simm.s32 $0x1B8E;
	s24 =	sld [smem:$0x3FFE];
	[sflag:s23] =	ssyncadd.s32 $0xFFFFFFFF  }
0xa7: {  	s26 =	simm.s32 $execute0_lowered;
	[smem:$0x3FD2] =	sst s25  }
0xa8: {  	s7 =	sshll.u32 s26, $0x1;
	_ =	strace $0x8000004C;
	[dreg:$0x1] =	wrdreg $0xFFFFFFFF  }
0xa9: {  	s28 =	simm.s32 $_size_execute0_lowered;
	s5 =	sadd.s32 s5, s7;
	[dreg:$0x0] =	wrdreg $0x0  }
0xaa: {  	s7 =	sshll.u32 s28, $0x1;
	[dreg:$0x2] =	wrdreg s5  }
0xab: {  	[dreg:$0x3] =	wrdreg s7  }
0xac: {  	[dreg:$0x4] =	wrdreg $0xC0  }
0xad: {  	_ =	task [dreg:s9], $0x5FFFF  }
0xae: {  	[dreg:$0x1] =	wrdreg $0xFFFFFFFF  }
0xaf: {  	[dreg:$0x0] =	wrdreg $0x60  }
0xb0: {  	[dreg:$0x2] =	wrdreg s2  }
0xb1: {  	[dreg:$0x3] =	wrdreg s18  }
0xb2: {  	[dreg:$0x4] =	wrdreg s24  }
0xb3: {  	[dreg:$0x5] =	wrdreg s4  }
0xb4: {  	[dreg:$0x6] =	wrdreg $0x9  }
0xb5: {  	_ =	task.clear_ibuf [dreg:s9], $0x7FFFF;
	_ =	strace $0x9000004C  }
0xb6: {  	s29 =	simm.s32 $0x9;
	_ =	strace $0x8000004E  }
0xb7: {  	_ =	swait.ge [sflag:s29], $0x1  }
0xb8: {  	[sflag:s29] =	ssyncadd.s32 $0xFFFFFFFF  }
0xb9: {  	_ =	strace $0x9000004E  }
0xba: {  	_ =	sfence  }
0xbb: {  	s30 =	sld [smem:$0x0];
	_ =	sdelay $0x2  }
0xbc: {  	s31 =	sshll.u32 s1, $0xD;
	s1 =	sshrl.u32 s1, $0x2  }
0xbd: {  	s3 =	sand.u32 $0x4000, s31;
	s1 =	sadd.s32 s1, s30  }
0xbe: {  	s0 =	sor.u32 s3, s0;
	s1 =	sshll.u32 s1, $0x11  }
0xbf: {  	s0 =	sor.u32 s1, s0  }
0xc0: {  	s0 =	sadd.s32 $0x8F2B, s0  }
0xc1: {  	[sflag:s0] =	ssyncadd.remote.s32 $0x1  }
0xc2: {  	_ =	sfence.sel $0xFFFF  }
0xc3: {  	[dreg:$0x0] =	wrdreg $0xFFFFFFFF;
	(pc) =	sbr.abs _section_cstart, $3  }
0xc4: {  	[dreg:$0x1] =	wrdreg $0xFFFFFFFF  }
0xc5: {  	_ =	task.clear_ibuf [dreg:s9], $0x2FFFF;
	_ =	strace $0x9FFFFFFF  }
0xc6: {  	(tm) =	ssettm $0x7FFFFFFF  }
0xc7: {  	_ =	shalt  }
tec
execute0_lowered:
.L_overlay_start_1:
0x0: {  	(tag) =	ssettag $0x1  }
0x1: {  	s0 =	rddreg [dreg:$0x0]  }
0x2: {  	s2 =	rddreg [dreg:$0x1]  }
0x3: {  	s4 =	rddreg [dreg:$0x2]  }
0x4: {  	s13 =	rddreg [dreg:$0x3];
	s1 =	simm.s32 $0x0  }
0x5: {  	s5 =	srdreg.scid;
	s7 =	stileid.u32;
	s16 =	simm.s32 $0x200  }
0x6: {  	s17 =	simm.s32 $0x80;
	s18 =	simm.s32 $0x280;
	s19 =	simm.s32 $0x100  }
0x7: {  	s20 =	simm.s32 $0x300;
	s21 =	simm.s32 $0x180;
	s22 =	simm.s32 $0x380  }
0x8: {  	s23 =	simm.s32 $0x400;
	s24 =	simm.s32 $0x4400;
	s29 =	simm.s32 $0x6400  }
0x9: {  	s30 =	simm.s32 $0x3400;
	s31 =	simm.s32 $0x7400;
	s25 =	simm.s32 $0x0  }
0xa: {  	[smem:$0x7FF] =	sst s1;
	s3 =	sadd.s32 $0xC00, s4;
	s5 =	sand.u32 $0x1, s5  }
0xb: {  	s7 =	sshll.u32 s7, $0x7;
	s6 =	ssub.s32 $0x2, s5;
	s5 =	sshll.u32 s5, $0x6  }
0xc: {  	s4 =	sadd.s32 $0x1313C00, s4;
	s8 =	sshrl.u32 s6, $0x1;
	s14 =	sor.u32 s5, s7  }
0xd: {  	_ =	strace $0x8000004D;
	s15 =	ssub.s32 s6, s8;
	s5 =	sadd.s32 s0, s14  }
0xe: {  	s28 =	sor.u32 $0x10, s14;
	s6 =	sadd.s32 s2, s14;
	s10 =	sor.u32 $0x20, s14  }
0xf: {  	s12 =	sor.u32 $0x30, s14;
	s13 =	sadd.s32 s13, s14;
	s7 =	sadd.s32 s0, s28  }
0x10: {  	s8 =	sadd.s32 s2, s28;
	s9 =	sadd.s32 s0, s10;
	s10 =	sadd.s32 s2, s10  }
0x11: {  	v0 =	vlaneseq.u32;
	s11 =	sadd.s32 s0, s12;
	s12 =	sadd.s32 s2, s12;
	s14 =	smax.u32 s15, $0x1  }
0x12: {  	v0 =	vmul.u32 $0x20, v0;
	s15 =	simm.s32 $0x2;
	s0 =	simm.s32 $0x1;
	s2 =	simm.s32 $0x8400  }
.LBB2_1:
0x13: {  	[tilespmem:s1], [sflag:$0x2] =	stream.linear.gather [hbm4b:s5+s1], $0x80, $0x38;
	[tilespmem:$0x8600] =	vst v63  }
0x14: {  	_ =	swait.ge [sflag:s15], $0x80  }
0x15: {  	[sflag:s15] =	ssyncset.done $0x0  }
0x16: {  	[sflag:s15] =	ssyncadd.s32 $0xFFFFFF80  }
0x17: {  	[tilespmem:s16], [sflag:$0x2] =	stream.linear.gather [hbm4b:s6+s1], $0x80, $0x38;
	[tilespmem:$0x8600] =	vst v63  }
0x18: {  	_ =	swait.ge [sflag:s15], $0x80  }
0x19: {  	[sflag:s15] =	ssyncset.done $0x0  }
0x1a: {  	[sflag:s15] =	ssyncadd.s32 $0xFFFFFF80  }
0x1b: {  	[tilespmem:s17], [sflag:$0x2] =	stream.linear.gather [hbm4b:s7+s1], $0x80, $0x38;
	[tilespmem:$0x8600] =	vst v63  }
0x1c: {  	_ =	swait.ge [sflag:s15], $0x80  }
0x1d: {  	[sflag:s15] =	ssyncset.done $0x0  }
0x1e: {  	[sflag:s15] =	ssyncadd.s32 $0xFFFFFF80  }
0x1f: {  	[tilespmem:s18], [sflag:$0x2] =	stream.linear.gather [hbm4b:s8+s1], $0x80, $0x38;
	[tilespmem:$0x8600] =	vst v63  }
0x20: {  	_ =	swait.ge [sflag:s15], $0x80  }
0x21: {  	[sflag:s15] =	ssyncset.done $0x0  }
0x22: {  	[sflag:s15] =	ssyncadd.s32 $0xFFFFFF80  }
0x23: {  	[tilespmem:s19], [sflag:$0x2] =	stream.linear.gather [hbm4b:s9+s1], $0x80, $0x38;
	[tilespmem:$0x8600] =	vst v63  }
0x24: {  	_ =	swait.ge [sflag:s15], $0x80  }
0x25: {  	[sflag:s15] =	ssyncset.done $0x0  }
0x26: {  	[sflag:s15] =	ssyncadd.s32 $0xFFFFFF80  }
0x27: {  	[tilespmem:s20], [sflag:$0x2] =	stream.linear.gather [hbm4b:s10+s1], $0x80, $0x38;
	[tilespmem:$0x8600] =	vst v63  }
0x28: {  	_ =	swait.ge [sflag:s15], $0x80  }
0x29: {  	[sflag:s15] =	ssyncset.done $0x0  }
0x2a: {  	[sflag:s15] =	ssyncadd.s32 $0xFFFFFF80  }
0x2b: {  	[tilespmem:s21], [sflag:$0x2] =	stream.linear.gather [hbm4b:s11+s1], $0x80, $0x38;
	[tilespmem:$0x8600] =	vst v63  }
0x2c: {  	_ =	swait.ge [sflag:s15], $0x80  }
0x2d: {  	[sflag:s15] =	ssyncset.done $0x0  }
0x2e: {  	[sflag:s15] =	ssyncadd.s32 $0xFFFFFF80  }
0x2f: {  	[tilespmem:s22], [sflag:$0x2] =	stream.linear.gather [hbm4b:s12+s1], $0x80, $0x38;
	[tilespmem:$0x8600] =	vst v63  }
0x30: {  	_ =	swait.ge [sflag:s15], $0x80  }
0x31: {  	[sflag:s15] =	ssyncset.done $0x0  }
0x32: {  	[sflag:s15] =	ssyncadd.s32 $0xFFFFFF80  }
0x33: {  	[tilespmem:s23], [sflag:$0x1] =	stream.indirect.gather [hbm4b:s3+s17], $0x20, s1, s17, $0xb8;
	[tilespmem:$0x8600] =	vst v63  }
0x34: {  	_ = 	snop  }
0x35: {  	[tilespmem:s24], [sflag:$0x1] =	stream.indirect.gather [hbm4b:s4+s17], $0x20, s16, s17, $0xb8;
	[tilespmem:$0x8600] =	vst v63  }
0x36: {  	s26 =	simm.s32 $0x1400  }
0x37: {  	[tilespmem:s26], [sflag:$0x1] =	stream.indirect.gather [hbm4b:s3+s17], $0x20, s17, s17, $0xb8;
	[tilespmem:$0x8600] =	vst v63  }
0x38: {  	s26 =	simm.s32 $0x5400  }
0x39: {  	[tilespmem:s26], [sflag:$0x1] =	stream.indirect.gather [hbm4b:s4+s17], $0x20, s18, s17, $0xb8;
	[tilespmem:$0x8600] =	vst v63  }
0x3a: {  	s26 =	simm.s32 $0x2400  }
0x3b: {  	[tilespmem:s26], [sflag:$0x1] =	stream.indirect.gather [hbm4b:s3+s17], $0x20, s19, s17, $0xb8;
	[tilespmem:$0x8600] =	vst v63  }
0x3c: {  	_ = 	snop  }
0x3d: {  	[tilespmem:s29], [sflag:$0x1] =	stream.indirect.gather [hbm4b:s4+s17], $0x20, s20, s17, $0xb8;
	[tilespmem:$0x8600] =	vst v63  }
0x3e: {  	_ = 	snop  }
0x3f: {  	[tilespmem:s30], [sflag:$0x1] =	stream.indirect.gather [hbm4b:s3+s17], $0x20, s21, s17, $0xb8;
	[tilespmem:$0x8600] =	vst v63  }
0x40: {  	_ = 	snop  }
0x41: {  	[tilespmem:s31], [sflag:$0x1] =	stream.indirect.gather [hbm4b:s4+s17], $0x20, s22, s17, $0xb8;
	[tilespmem:$0x8600] =	vst v63  }
0x42: {  	_ =	swait.ge [sflag:s0], $0x1000  }
0x43: {  	[sflag:s0] =	ssyncset.done $0x0  }
0x44: {  	[sflag:s0] =	ssyncadd.s32 $0xFFFFF000  }
0x45: {  	_ =	swait.ge [sflag:s0], $0x1000  }
0x46: {  	[sflag:s0] =	ssyncset.done $0x0  }
0x47: {  	[sflag:s0] =	ssyncadd.s32 $0xFFFFF000  }
0x48: {  	_ =	swait.ge [sflag:s0], $0x1000  }
0x49: {  	[sflag:s0] =	ssyncset.done $0x0  }
0x4a: {  	[sflag:s0] =	ssyncadd.s32 $0xFFFFF000  }
0x4b: {  	_ =	swait.ge [sflag:s0], $0x1000  }
0x4c: {  	[sflag:s0] =	ssyncset.done $0x0  }
0x4d: {  	[sflag:s0] =	ssyncadd.s32 $0xFFFFF000  }
0x4e: {  	_ =	swait.ge [sflag:s0], $0x1000  }
0x4f: {  	[sflag:s0] =	ssyncset.done $0x0  }
0x50: {  	[sflag:s0] =	ssyncadd.s32 $0xFFFFF000  }
0x51: {  	_ =	swait.ge [sflag:s0], $0x1000  }
0x52: {  	v1 =	vmov s1;
	[sflag:s0] =	ssyncset.done $0x0  }
0x53: {  	v1 =	vshll.u32 v1, $0x5;
	[sflag:s0] =	ssyncadd.s32 $0xFFFFF000  }
0x54: {  	v20 =	vor.u32 v0, v1;
	_ =	swait.ge [sflag:s0], $0x1000  }
0x55: {  	v1 =	vor.u32 $0x2, v20;
	[sflag:s0] =	ssyncset.done $0x0  }
0x56: {  	v2 =	vor.u32 $0x1, v20;
	[sflag:s0] =	ssyncadd.s32 $0xFFFFF000  }
0x57: {  	_ =	swait.ge [sflag:s0], $0x1000  }
0x58: {  	[sflag:s0] =	ssyncset.done $0x0  }
0x59: {  	[sflag:s0] =	ssyncadd.s32 $0xFFFFF000  }
0x5a: {  	v3 =	vor.u32 $0x3, v20;
	v22 =	vld.idx.msk [tilespmem:v1+s23+$0x0], $0xffff  }
0x5b: {  	v21 =	vld.idx.msk [tilespmem:v2+s23+$0x0], $0xffff  }
0x5c: {  	v4 =	vor.u32 $0x4, v20;
	v23 =	vld.idx.msk [tilespmem:v20+s23+$0x0], $0xffff  }
0x5d: {  	v24 =	vld.idx.msk [tilespmem:v2+s24+$0x0], $0xffff  }
0x5e: {  	v25 =	vld.idx.msk [tilespmem:v20+s24+$0x0], $0xffff  }
0x5f: {  	v5 =	vor.u32 $0x6, v20;
	v26 =	vld.idx.msk [tilespmem:v3+s23+$0x0], $0xffff  }
0x60: {  	v10 =	vor.u32 $0x7, v20;
	v27 =	vld.idx.msk [tilespmem:v1+s24+$0x0], $0xffff  }
0x61: {  	v2 =	vor.u32 $0x5, v20;
	v17 =	vld.idx.msk [tilespmem:v4+s23+$0x0], $0xffff  }
0x62: {  	v28 =	vld.idx.msk [tilespmem:v3+s24+$0x0], $0xffff  }
0x63: {  	v29 =	vld.idx.msk [tilespmem:v4+s24+$0x0], $0xffff;
	v1 =	vmul.f32 v23, v23;
	v7 =	vmul.f32 v21, v21  }
0x64: {  	v11 =	vor.u32 $0x8, v20;
	v31 =	vld.idx.msk [tilespmem:v5+s24+$0x0], $0xffff;
	v3 =	vmul.f32 v22, v22  }
0x65: {  	v32 =	vld.idx.msk [tilespmem:v10+s24+$0x0], $0xffff;
	v8 =	vmul.f32 v25, v25;
	v12 =	vmul.f32 v24, v24;
	v9 =	vadd.f32 v7, v1  }
0x66: {  	v13 =	vor.u32 $0x9, v20;
	v15 =	vor.u32 $0xA, v20;
	v6 =	vld.idx.msk [tilespmem:v2+s23+$0x0], $0xffff;
	v48 =	vmul.f32 v26, v26  }
0x67: {  	v49 =	vmul.f32 v27, v27;
	v30 =	vld.idx.msk [tilespmem:v2+s24+$0x0], $0xffff;
	v12 =	vadd.f32 v12, v8;
	v3 =	vadd.f32 v3, v9  }
0x68: {  	v19 =	vor.u32 $0xB, v20;
	v33 =	vor.u32 $0xC, v20;
	v14 =	vmul.f32 v17, v17;
	v7 =	vld.idx.msk [tilespmem:v5+s23+$0x0], $0xffff  }
0x69: {  	v34 =	vld.idx.msk [tilespmem:v11+s24+$0x0], $0xffff;
	v16 =	vmul.f32 v28, v28;
	v12 =	vadd.f32 v49, v12;
	v4 =	vadd.f32 v48, v3  }
0x6a: {  	v36 =	vor.u32 $0xD, v20;
	v40 =	vor.u32 $0xE, v20;
	v51 =	vmul.f32 v29, v29;
	v8 =	vld.idx.msk [tilespmem:v10+s23+$0x0], $0xffff  }
0x6b: {  	v38 =	vld.idx.msk [tilespmem:v13+s24+$0x0], $0xffff;
	v50 =	vmul.f32 v6, v6;
	v12 =	vadd.f32 v16, v12;
	v14 =	vadd.f32 v14, v4  }
0x6c: {  	v41 =	vor.u32 $0xF, v20;
	v42 =	vor.u32 $0x19, v20;
	v9 =	vld.idx.msk [tilespmem:v11+s23+$0x0], $0xffff;
	v52 =	vmul.f32 v30, v30  }
0x6d: {  	v43 =	vld.idx.msk [tilespmem:v19+s24+$0x0], $0xffff;
	v18 =	vmul.f32 v7, v7;
	v12 =	vadd.f32 v51, v12;
	v14 =	vadd.f32 v50, v14  }
0x6e: {  	v44 =	vor.u32 $0x10, v20;
	v45 =	vor.u32 $0x18, v20;
	v37 =	vmul.f32 v31, v31;
	v10 =	vld.idx.msk [tilespmem:v13+s23+$0x0], $0xffff  }
0x6f: {  	v35 =	vmul.f32 v8, v8;
	v16 =	vadd.f32 v52, v12;
	v14 =	vadd.f32 v18, v14  }
0x70: {  	v47 =	vor.u32 $0x11, v20;
	v53 =	vmul.f32 v32, v32;
	v56 =	vmul.f32 v34, v34;
	v11 =	vld.idx.msk [tilespmem:v15+s23+$0x0], $0xffff  }
0x71: {  	v39 =	vmul.f32 v9, v9;
	v12 =	vld.idx.msk [tilespmem:v19+s23+$0x0], $0xffff;
	v16 =	vadd.f32 v37, v16;
	v14 =	vadd.f32 v35, v14  }
0x72: {  	v2 =	vor.u32 $0x1E, v20;
	v58 =	vmul.f32 v38, v38;
	v61 =	vmul.f32 v43, v43;
	v37 =	vld.idx.msk [tilespmem:v15+s24+$0x0], $0xffff  }
0x73: {  	v13 =	vld.idx.msk [tilespmem:v33+s23+$0x0], $0xffff;
	v54 =	vmul.f32 v10, v10;
	v16 =	vadd.f32 v53, v16;
	v55 =	vadd.f32 v39, v14  }
0x74: {  	v23 =	vmul.f32 v25, v23;
	v24 =	vmul.f32 v24, v21;
	v1 =	vor.u32 $0x1F, v20;
	v33 =	vld.idx.msk [tilespmem:v33+s24+$0x0], $0xffff  }
0x75: {  	v57 =	vmul.f32 v11, v11;
	v16 =	vadd.f32 v56, v16;
	v35 =	vadd.f32 v54, v55  }
0x76: {  	v5 =	vor.u32 $0x1B, v20;
	v23 =	vadd.f32 $0.0e+00, v23;
	v46 =	vmul.f32 v12, v12;
	v14 =	vld.idx.msk [tilespmem:v36+s23+$0x0], $0xffff  }
0x77: {  	v15 =	vld.idx.msk [tilespmem:v40+s23+$0x0], $0xffff;
	v59 =	vmul.f32 v37, v37;
	v39 =	vadd.f32 v58, v16;
	v19 =	vadd.f32 v57, v35  }
0x78: {  	v3 =	vor.u32 $0x1D, v20;
	v48 =	vor.u32 $0x17, v20;
	v49 =	vmul.f32 v13, v13;
	v36 =	vld.idx.msk [tilespmem:v36+s24+$0x0], $0xffff  }
0x79: {  	v62 =	vmul.f32 v33, v33;
	v40 =	vld.idx.msk [tilespmem:v40+s24+$0x0], $0xffff;
	v35 =	vadd.f32 v59, v39;
	v60 =	vadd.f32 v46, v19  }
0x7a: {  	v4 =	vor.u32 $0x1C, v20;
	v51 =	vor.u32 $0x16, v20;
	v50 =	vor.u32 $0x12, v20;
	v16 =	vld.idx.msk [tilespmem:v41+s23+$0x0], $0xffff  }
0x7b: {  	v41 =	vld.idx.msk [tilespmem:v41+s24+$0x0], $0xffff;
	v52 =	vmul.f32 v14, v14;
	v35 =	vadd.f32 v61, v35;
	v39 =	vadd.f32 v49, v60  }
0x7c: {  	v18 =	vor.u32 $0x1A, v20;
	v53 =	vor.u32 $0x13, v20;
	v63 =	vmul.f32 v15, v15;
	v19 =	vld.idx.msk [tilespmem:v44+s23+$0x0], $0xffff  }
0x7d: {  	v56 =	vmul.f32 v36, v36;
	v44 =	vld.idx.msk [tilespmem:v44+s24+$0x0], $0xffff;
	v35 =	vadd.f32 v62, v35;
	v39 =	vadd.f32 v52, v39  }
0x7e: {  	v54 =	vor.u32 $0x15, v20;
	v58 =	vmul.f32 v40, v40;
	v49 =	vor.u32 $0x14, v20;
	v20 =	vld.idx.msk [tilespmem:v47+s23+$0x0], $0xffff  }
0x7f: {  	v21 =	vld.idx.msk [tilespmem:v50+s23+$0x0], $0xffff;
	v57 =	vmul.f32 v16, v16;
	v35 =	vadd.f32 v56, v35;
	v25 =	vadd.f32 v63, v39  }
0x80: {  	v22 =	vmul.f32 v27, v22;
	v23 =	vadd.f32 v24, v23;
	v46 =	vld.idx.msk [tilespmem:v47+s24+$0x0], $0xffff;
	v60 =	vmul.f32 v41, v41  }
0x81: {  	v27 =	vld.idx.msk [tilespmem:v53+s23+$0x0], $0xffff;
	v59 =	vmul.f32 v19, v19;
	v35 =	vadd.f32 v58, v35;
	v25 =	vadd.f32 v57, v25  }
0x82: {  	v22 =	vadd.f32 v22, v23;
	v61 =	vmul.f32 v28, v26;
	v47 =	vld.idx.msk [tilespmem:v50+s24+$0x0], $0xffff;
	v63 =	vmul.f32 v44, v44  }
0x83: {  	v39 =	vld.idx.msk [tilespmem:v53+s24+$0x0], $0xffff;
	v62 =	vmul.f32 v20, v20;
	v35 =	vadd.f32 v60, v35;
	v24 =	vadd.f32 v59, v25  }
0x84: {  	v17 =	vmul.f32 v29, v17;
	v22 =	vadd.f32 v61, v22;
	v50 =	vmul.f32 v21, v21;
	v28 =	vld.idx.msk [tilespmem:v49+s23+$0x0], $0xffff  }
0x85: {  	v29 =	vld.idx.msk [tilespmem:v54+s23+$0x0], $0xffff;
	v52 =	vmul.f32 v46, v46;
	v25 =	vadd.f32 v63, v35;
	v24 =	vadd.f32 v62, v24  }
0x86: {  	v6 =	vmul.f32 v30, v6;
	v17 =	vadd.f32 v17, v22;
	v53 =	vmul.f32 v27, v27;
	v35 =	vld.idx.msk [tilespmem:v49+s24+$0x0], $0xffff  }
0x87: {  	v26 =	vld.idx.msk [tilespmem:v54+s24+$0x0], $0xffff;
	v55 =	vmul.f32 v47, v47;
	v25 =	vadd.f32 v52, v25;
	v23 =	vadd.f32 v50, v24  }
0x88: {  	v7 =	vmul.f32 v31, v7;
	v30 =	vld.idx.msk [tilespmem:v51+s23+$0x0], $0xffff;
	v6 =	vadd.f32 v6, v17;
	v57 =	vmul.f32 v39, v39  }
0x89: {  	v31 =	vld.idx.msk [tilespmem:v48+s23+$0x0], $0xffff;
	v56 =	vmul.f32 v28, v28;
	v24 =	vadd.f32 v55, v25;
	v22 =	vadd.f32 v53, v23  }
0x8a: {  	v58 =	vmul.f32 v32, v8;
	v6 =	vadd.f32 v7, v6;
	v59 =	vmul.f32 v29, v29;
	v25 =	vld.idx.msk [tilespmem:v51+s24+$0x0], $0xffff  }
0x8b: {  	v32 =	vld.idx.msk [tilespmem:v45+s23+$0x0], $0xffff;
	v60 =	vmul.f32 v35, v35;
	v23 =	vadd.f32 v57, v24;
	v17 =	vadd.f32 v56, v22  }
0x8c: {  	v61 =	vmul.f32 v34, v9;
	v6 =	vadd.f32 v58, v6;
	v63 =	vmul.f32 v26, v26;
	v24 =	vld.idx.msk [tilespmem:v48+s24+$0x0], $0xffff  }
0x8d: {  	v34 =	vld.idx.msk [tilespmem:v42+s23+$0x0], $0xffff;
	v62 =	vmul.f32 v30, v30;
	v22 =	vadd.f32 v60, v23;
	v8 =	vadd.f32 v59, v17  }
0x8e: {  	v6 =	vadd.f32 v61, v6;
	v48 =	vmul.f32 v31, v31;
	v23 =	vld.idx.msk [tilespmem:v45+s24+$0x0], $0xffff;
	v45 =	vmul.f32 v38, v10  }
0x8f: {  	v38 =	vld.idx.msk [tilespmem:v18+s23+$0x0], $0xffff;
	v49 =	vmul.f32 v25, v25;
	v17 =	vadd.f32 v63, v22;
	v8 =	vadd.f32 v62, v8  }
0x90: {  	v50 =	vmul.f32 v37, v11;
	v51 =	vmul.f32 v32, v32;
	v22 =	vld.idx.msk [tilespmem:v42+s24+$0x0], $0xffff;
	v6 =	vadd.f32 v45, v6  }
0x91: {  	v37 =	vld.idx.msk [tilespmem:v5+s23+$0x0], $0xffff;
	v52 =	vmul.f32 v24, v24;
	v9 =	vadd.f32 v49, v17;
	v8 =	vadd.f32 v48, v8  }
0x92: {  	v54 =	vmul.f32 v34, v34;
	v53 =	vmul.f32 v43, v12;
	v17 =	vld.idx.msk [tilespmem:v18+s24+$0x0], $0xffff;
	v6 =	vadd.f32 v50, v6  }
0x93: {  	v5 =	vld.idx.msk [tilespmem:v5+s24+$0x0], $0xffff;
	v55 =	vmul.f32 v23, v23;
	v9 =	vadd.f32 v52, v9;
	v8 =	vadd.f32 v51, v8  }
0x94: {  	v56 =	vmul.f32 v33, v13;
	v18 =	vld.idx.msk [tilespmem:v4+s23+$0x0], $0xffff;
	v57 =	vmul.f32 v38, v38;
	v6 =	vadd.f32 v53, v6  }
0x95: {  	v13 =	vld.idx.msk [tilespmem:v3+s23+$0x0], $0xffff;
	v58 =	vmul.f32 v22, v22;
	v9 =	vadd.f32 v55, v9;
	v8 =	vadd.f32 v54, v8  }
0x96: {  	v60 =	vmul.f32 v37, v37;
	v59 =	vmul.f32 v36, v14;
	v4 =	vld.idx.msk [tilespmem:v4+s24+$0x0], $0xffff;
	v6 =	vadd.f32 v56, v6  }
0x97: {  	v3 =	vld.idx.msk [tilespmem:v3+s24+$0x0], $0xffff;
	v61 =	vmul.f32 v17, v17;
	v9 =	vadd.f32 v58, v9;
	v8 =	vadd.f32 v57, v8  }
0x98: {  	v14 =	vld.idx.msk [tilespmem:v2+s23+$0x0], $0xffff;
	v36 =	vmul.f32 v5, v5;
	v62 =	vmul.f32 v40, v15;
	v6 =	vadd.f32 v59, v6  }
0x99: {  	v33 =	vld.idx.msk [tilespmem:v1+s23+$0x0], $0xffff;
	v63 =	vmul.f32 v18, v18;
	v9 =	vadd.f32 v61, v9;
	v8 =	vadd.f32 v60, v8  }
0x9a: {  	v2 =	vld.idx.msk [tilespmem:v2+s24+$0x0], $0xffff;
	v40 =	vmul.f32 v41, v16;
	v41 =	vmul.f32 v13, v13;
	v6 =	vadd.f32 v62, v6  }
0x9b: {  	v42 =	vmul.f32 v4, v4;
	v9 =	vadd.f32 v36, v9;
	v8 =	vadd.f32 v63, v8  }
0x9c: {  	v43 =	vmul.f32 v44, v19;
	v1 =	vld.idx.msk [tilespmem:v1+s24+$0x0], $0xffff;
	v45 =	vmul.f32 v3, v3;
	v6 =	vadd.f32 v40, v6  }
0x9d: {  	v44 =	vmul.f32 v14, v14;
	v9 =	vadd.f32 v42, v9;
	v8 =	vadd.f32 v41, v8  }
0x9e: {  	v46 =	vmul.f32 v46, v20;
	v48 =	vmul.f32 v33, v33;
	v6 =	vadd.f32 v43, v6  }
0x9f: {  	v49 =	vmul.f32 v2, v2;
	v9 =	vadd.f32 v45, v9;
	v8 =	vadd.f32 v44, v8  }
0xa0: {  	v50 =	vmul.f32 v47, v21;
	v6 =	vadd.f32 v46, v6  }
0xa1: {  	v51 =	vmul.f32 v1, v1;
	v9 =	vadd.f32 v49, v9;
	v8 =	vadd.f32 v48, v8  }
0xa2: {  	v52 =	vmul.f32 v39, v27;
	v6 =	vadd.f32 v50, v6  }
0xa3: {  	v9 =	vadd.f32 v51, v9;
	v53 =	vshra.s32 v8, $0x1;
	v8 =	vmul.f32 $5.000000000e-01, v8  }
0xa4: {  	v54 =	vmul.f32 v35, v28;
	v6 =	vadd.f32 v52, v6;
	v10 =	vsub.s32 $0x5F3759DF, v53  }
0xa5: {  	v56 =	vshra.s32 v9, $0x1;
	v9 =	vmul.f32 $5.000000000e-01, v9;
	v55 =	vmul.f32 v10, v8  }
0xa6: {  	v57 =	vmul.f32 v26, v29;
	v6 =	vadd.f32 v54, v6;
	v12 =	vsub.s32 $0x5F3759DF, v56  }
0xa7: {  	v58 =	vmul.f32 v12, v9;
	v11 =	vmul.f32 v10, v55  }
0xa8: {  	v59 =	vmul.f32 v25, v30;
	v6 =	vadd.f32 v57, v6  }
0xa9: {  	v16 =	vmul.f32 v12, v58;
	v11 =	vsub.f32 $1.500000000e+00, v11  }
0xaa: {  	v60 =	vmul.f32 v24, v31;
	v6 =	vadd.f32 v59, v6  }
0xab: {  	v61 =	vsub.f32 $1.500000000e+00, v16;
	v10 =	vmul.f32 v10, v11  }
0xac: {  	v62 =	vmul.f32 v23, v32;
	v6 =	vadd.f32 v60, v6  }
0xad: {  	v11 =	vmul.f32 v12, v61;
	v63 =	vmul.f32 v10, v8  }
0xae: {  	v20 =	vmul.f32 v22, v34;
	v6 =	vadd.f32 v62, v6  }
0xaf: {  	v22 =	vmul.f32 v11, v9;
	v21 =	vmul.f32 v63, v10  }
0xb0: {  	v23 =	vmul.f32 v17, v38;
	v6 =	vadd.f32 v20, v6  }
0xb1: {  	v16 =	vmul.f32 v22, v11;
	v12 =	vsub.f32 $1.500000000e+00, v21  }
0xb2: {  	v5 =	vmul.f32 v5, v37;
	v6 =	vadd.f32 v23, v6  }
0xb3: {  	v25 =	vsub.f32 $1.500000000e+00, v16;
	v24 =	vmul.f32 v12, v10  }
0xb4: {  	v4 =	vmul.f32 v4, v18;
	v5 =	vadd.f32 v5, v6  }
0xb5: {  	v27 =	vmul.f32 v25, v11;
	v26 =	vmul.f32 v24, v8  }
0xb6: {  	v3 =	vmul.f32 v3, v13;
	v4 =	vadd.f32 v4, v5  }
0xb7: {  	v29 =	vmul.f32 v27, v9;
	v28 =	vmul.f32 v26, v24  }
0xb8: {  	v2 =	vmul.f32 v2, v14;
	v3 =	vadd.f32 v3, v4  }
0xb9: {  	v31 =	vmul.f32 v29, v27;
	v30 =	vsub.f32 $1.500000000e+00, v28  }
0xba: {  	v1 =	vmul.f32 v1, v33;
	v2 =	vadd.f32 v2, v3  }
0xbb: {  	v32 =	vsub.f32 $1.500000000e+00, v31;
	v3 =	vmul.f32 v30, v24  }
0xbc: {  	v1 =	vadd.f32 v1, v2  }
0xbd: {  	v2 =	vmin.f32 v3, $1.000000000e+00;
	v3 =	vmul.f32 v32, v27  }
0xbe: {  	v1 =	vmul.f32 v2, v1  }
0xbf: {  	v2 =	vmin.f32 v3, $1.000000000e+00  }
0xc0: {  	v1 =	vmul.f32 v2, v1;
	_ =	sdelay $0x1  }
0xc1: {  	v1 =	vsub.f32 $0.0e+00, v1;
	_ =	sdelay $0x1  }
0xc2: {  	v1 =	vmul.f32 $1.442695020e+00, v1;
	_ =	sdelay $0x1  }
0xc3: {  	(erf) = vpow2.f32 v1;
	_ =	sdelay $0x8  }
0xc4: {  	v1 =	vpop (erf)  }
0xc5: {  	v1 =	vadd.f32 $1.000000000e+00, v1;
	_ =	sdelay $0x1  }
0xc6: {  	(erf) = vrcp.f32 v1;
	_ =	sdelay $0x1  }
0xc7: {  	s26 =	simm.s32 $0x10  }
0xc8: {  	v1 =	vmov s26  }
0xc9: {  	v1 =	vshll.u32 v1, $0x5  }
0xca: {  	v20 =	vor.u32 v0, v1  }
0xcb: {  	v1 =	vor.u32 $0x2, v20  }
0xcc: {  	v2 =	vor.u32 $0x1, v20;
	_ =	sdelay $0x1  }
0xcd: {  	v3 =	vpop (erf)  }
0xce: {  	[tilespmem:s2+$0x0] =	vst v3  }
0xcf: {  	v22 =	vld.idx.msk [tilespmem:v1+s23+$0x0], $0xffff  }
0xd0: {  	v33 =	vor.u32 $0x4, v20;
	v21 =	vld.idx.msk [tilespmem:v2+s23+$0x0], $0xffff  }
0xd1: {  	v23 =	vld.idx.msk [tilespmem:v20+s23+$0x0], $0xffff  }
0xd2: {  	v34 =	vor.u32 $0x6, v20;
	v24 =	vld.idx.msk [tilespmem:v2+s24+$0x0], $0xffff  }
0xd3: {  	v3 =	vor.u32 $0x3, v20;
	v25 =	vld.idx.msk [tilespmem:v20+s24+$0x0], $0xffff  }
0xd4: {  	v36 =	vor.u32 $0x7, v20;
	v27 =	vld.idx.msk [tilespmem:v1+s24+$0x0], $0xffff  }
0xd5: {  	v17 =	vld.idx.msk [tilespmem:v33+s23+$0x0], $0xffff  }
0xd6: {  	v29 =	vld.idx.msk [tilespmem:v33+s24+$0x0], $0xffff  }
0xd7: {  	v2 =	vor.u32 $0x5, v20;
	v7 =	vld.idx.msk [tilespmem:v34+s23+$0x0], $0xffff  }
0xd8: {  	v37 =	vor.u32 $0x8, v20;
	v26 =	vld.idx.msk [tilespmem:v3+s23+$0x0], $0xffff  }
0xd9: {  	v8 =	vld.idx.msk [tilespmem:v36+s23+$0x0], $0xffff;
	v1 =	vmul.f32 v23, v23;
	v35 =	vmul.f32 v21, v21  }
0xda: {  	v42 =	vor.u32 $0x9, v20;
	v28 =	vld.idx.msk [tilespmem:v3+s24+$0x0], $0xffff;
	v3 =	vmul.f32 v22, v22  }
0xdb: {  	v31 =	vld.idx.msk [tilespmem:v34+s24+$0x0], $0xffff;
	v38 =	vmul.f32 v25, v25;
	v40 =	vmul.f32 v24, v24;
	v39 =	vadd.f32 v35, v1  }
0xdc: {  	v45 =	vor.u32 $0xA, v20;
	v6 =	vld.idx.msk [tilespmem:v2+s23+$0x0], $0xffff;
	v43 =	vmul.f32 v27, v27  }
0xdd: {  	v9 =	vld.idx.msk [tilespmem:v37+s23+$0x0], $0xffff;
	v12 =	vadd.f32 v40, v38;
	v41 =	vmul.f32 v26, v26;
	v3 =	vadd.f32 v3, v39  }
0xde: {  	v48 =	vor.u32 $0xB, v20;
	v51 =	vor.u32 $0xC, v20;
	v30 =	vld.idx.msk [tilespmem:v2+s24+$0x0], $0xffff;
	v44 =	vmul.f32 v17, v17  }
0xdf: {  	v32 =	vld.idx.msk [tilespmem:v36+s24+$0x0], $0xffff;
	v12 =	vadd.f32 v43, v12;
	v46 =	vmul.f32 v28, v28;
	v4 =	vadd.f32 v41, v3  }
0xe0: {  	v63 =	vor.u32 $0xD, v20;
	v5 =	vor.u32 $0x1B, v20;
	v10 =	vld.idx.msk [tilespmem:v42+s23+$0x0], $0xffff;
	v49 =	vmul.f32 v29, v29  }
0xe1: {  	v34 =	vld.idx.msk [tilespmem:v37+s24+$0x0], $0xffff;
	v47 =	vmul.f32 v6, v6;
	v12 =	vadd.f32 v46, v12;
	v14 =	vadd.f32 v44, v4  }
0xe2: {  	v54 =	vor.u32 $0xE, v20;
	v18 =	vor.u32 $0x1A, v20;
	v11 =	vld.idx.msk [tilespmem:v45+s23+$0x0], $0xffff;
	v50 =	vmul.f32 v7, v7  }
0xe3: {  	v37 =	vld.idx.msk [tilespmem:v45+s24+$0x0], $0xffff;
	v61 =	vmul.f32 v30, v30;
	v12 =	vadd.f32 v49, v12;
	v14 =	vadd.f32 v47, v14  }
0xe4: {  	v13 =	vld.idx.msk [tilespmem:v51+s23+$0x0], $0xffff;
	v45 =	vor.u32 $0x18, v20;
	v62 =	vmul.f32 v8, v8;
	v52 =	vmul.f32 v31, v31  }
0xe5: {  	v33 =	vld.idx.msk [tilespmem:v51+s24+$0x0], $0xffff;
	v53 =	vmul.f32 v9, v9;
	v16 =	vadd.f32 v61, v12;
	v14 =	vadd.f32 v50, v14  }
0xe6: {  	v51 =	vor.u32 $0x16, v20;
	v55 =	vmul.f32 v32, v32;
	v56 =	vmul.f32 v10, v10;
	v38 =	vld.idx.msk [tilespmem:v42+s24+$0x0], $0xffff  }
0xe7: {  	v15 =	vld.idx.msk [tilespmem:v54+s23+$0x0], $0xffff;
	v58 =	vmul.f32 v34, v34;
	v16 =	vadd.f32 v52, v16;
	v14 =	vadd.f32 v62, v14  }
0xe8: {  	v2 =	vor.u32 $0x1E, v20;
	v59 =	vmul.f32 v11, v11;
	v23 =	vmul.f32 v25, v23;
	v12 =	vld.idx.msk [tilespmem:v48+s23+$0x0], $0xffff  }
0xe9: {  	v1 =	vor.u32 $0x1F, v20;
	v40 =	vld.idx.msk [tilespmem:v54+s24+$0x0], $0xffff;
	v16 =	vadd.f32 v55, v16;
	v57 =	vadd.f32 v53, v14  }
0xea: {  	v42 =	vor.u32 $0x19, v20;
	v54 =	vor.u32 $0x15, v20;
	v43 =	vld.idx.msk [tilespmem:v48+s24+$0x0], $0xffff;
	v41 =	vor.u32 $0xF, v20  }
0xeb: {  	v60 =	vmul.f32 v38, v38;
	v16 =	vadd.f32 v58, v16;
	v35 =	vadd.f32 v56, v57  }
0xec: {  	v3 =	vor.u32 $0x1D, v20;
	v44 =	vor.u32 $0x10, v20;
	v62 =	vmul.f32 v37, v37;
	v14 =	vld.idx.msk [tilespmem:v63+s23+$0x0], $0xffff  }
0xed: {  	v36 =	vld.idx.msk [tilespmem:v63+s24+$0x0], $0xffff;
	v61 =	vmul.f32 v12, v12;
	v39 =	vadd.f32 v60, v16;
	v19 =	vadd.f32 v59, v35  }
0xee: {  	v4 =	vor.u32 $0x1C, v20;
	v47 =	vor.u32 $0x11, v20;
	v63 =	vmul.f32 v13, v13  }
0xef: {  	v58 =	vmul.f32 v43, v43;
	v35 =	vadd.f32 v62, v39;
	v57 =	vadd.f32 v61, v19  }
0xf0: {  	v49 =	vor.u32 $0x14, v20;
	v50 =	vor.u32 $0x12, v20;
	v16 =	vld.idx.msk [tilespmem:v41+s23+$0x0], $0xffff;
	v60 =	vmul.f32 v33, v33  }
0xf1: {  	v41 =	vld.idx.msk [tilespmem:v41+s24+$0x0], $0xffff;
	v59 =	vmul.f32 v14, v14;
	v35 =	vadd.f32 v58, v35;
	v39 =	vadd.f32 v63, v57  }
0xf2: {  	v48 =	vor.u32 $0x17, v20;
	v53 =	vor.u32 $0x13, v20;
	v62 =	vmul.f32 v36, v36;
	v19 =	vld.idx.msk [tilespmem:v44+s23+$0x0], $0xffff  }
0xf3: {  	v20 =	vld.idx.msk [tilespmem:v47+s23+$0x0], $0xffff;
	v61 =	vmul.f32 v15, v15;
	v35 =	vadd.f32 v60, v35;
	v39 =	vadd.f32 v59, v39  }
0xf4: {  	v24 =	vmul.f32 v24, v21;
	v23 =	vadd.f32 $0.0e+00, v23;
	v55 =	vmul.f32 v40, v40;
	v44 =	vld.idx.msk [tilespmem:v44+s24+$0x0], $0xffff  }
0xf5: {  	v46 =	vld.idx.msk [tilespmem:v47+s24+$0x0], $0xffff;
	v63 =	vmul.f32 v16, v16;
	v35 =	vadd.f32 v62, v35;
	v25 =	vadd.f32 v61, v39  }
0xf6: {  	v22 =	vmul.f32 v27, v22;
	v23 =	vadd.f32 v24, v23;
	v21 =	vld.idx.msk [tilespmem:v50+s23+$0x0], $0xffff;
	v57 =	vmul.f32 v41, v41  }
0xf7: {  	v27 =	vld.idx.msk [tilespmem:v53+s23+$0x0], $0xffff;
	v56 =	vmul.f32 v19, v19;
	v35 =	vadd.f32 v55, v35;
	v25 =	vadd.f32 v63, v25  }
0xf8: {  	v22 =	vadd.f32 v22, v23;
	v47 =	vld.idx.msk [tilespmem:v50+s24+$0x0], $0xffff;
	v58 =	vmul.f32 v28, v26;
	v59 =	vmul.f32 v20, v20  }
0xf9: {  	v28 =	vld.idx.msk [tilespmem:v49+s23+$0x0], $0xffff;
	v60 =	vmul.f32 v44, v44;
	v35 =	vadd.f32 v57, v35;
	v24 =	vadd.f32 v56, v25  }
0xfa: {  	v17 =	vmul.f32 v29, v17;
	v22 =	vadd.f32 v58, v22;
	v62 =	vmul.f32 v46, v46;
	v39 =	vld.idx.msk [tilespmem:v53+s24+$0x0], $0xffff  }
0xfb: {  	v29 =	vld.idx.msk [tilespmem:v54+s23+$0x0], $0xffff;
	v61 =	vmul.f32 v21, v21;
	v25 =	vadd.f32 v60, v35;
	v24 =	vadd.f32 v59, v24  }
0xfc: {  	v6 =	vmul.f32 v30, v6;
	v17 =	vadd.f32 v17, v22;
	v63 =	vmul.f32 v27, v27;
	v35 =	vld.idx.msk [tilespmem:v49+s24+$0x0], $0xffff  }
0xfd: {  	v26 =	vld.idx.msk [tilespmem:v54+s24+$0x0], $0xffff;
	v49 =	vmul.f32 v47, v47;
	v25 =	vadd.f32 v62, v25;
	v23 =	vadd.f32 v61, v24  }
0xfe: {  	v7 =	vmul.f32 v31, v7;
	v30 =	vld.idx.msk [tilespmem:v51+s23+$0x0], $0xffff;
	v50 =	vmul.f32 v28, v28;
	v6 =	vadd.f32 v6, v17  }
0xff: {  	v31 =	vld.idx.msk [tilespmem:v48+s23+$0x0], $0xffff;
	v52 =	vmul.f32 v39, v39;
	v24 =	vadd.f32 v49, v25;
	v22 =	vadd.f32 v63, v23  }
0x100: {  	v54 =	vmul.f32 v29, v29;
	v53 =	vmul.f32 v32, v8;
	v6 =	vadd.f32 v7, v6;
	v25 =	vld.idx.msk [tilespmem:v51+s24+$0x0], $0xffff  }
0x101: {  	v32 =	vld.idx.msk [tilespmem:v45+s23+$0x0], $0xffff;
	v55 =	vmul.f32 v35, v35;
	v23 =	vadd.f32 v52, v24;
	v17 =	vadd.f32 v50, v22  }
0x102: {  	v58 =	vmul.f32 v26, v26;
	v6 =	vadd.f32 v53, v6;
	v56 =	vmul.f32 v34, v9;
	v24 =	vld.idx.msk [tilespmem:v48+s24+$0x0], $0xffff  }
0x103: {  	v57 =	vmul.f32 v30, v30;
	v34 =	vld.idx.msk [tilespmem:v42+s23+$0x0], $0xffff;
	v22 =	vadd.f32 v55, v23;
	v8 =	vadd.f32 v54, v17  }
0x104: {  	v60 =	vmul.f32 v31, v31;
	v6 =	vadd.f32 v56, v6;
	v59 =	vmul.f32 v38, v10;
	v23 =	vld.idx.msk [tilespmem:v45+s24+$0x0], $0xffff  }
0x105: {  	v38 =	vld.idx.msk [tilespmem:v18+s23+$0x0], $0xffff;
	v61 =	vmul.f32 v25, v25;
	v17 =	vadd.f32 v58, v22;
	v8 =	vadd.f32 v57, v8  }
0x106: {  	v62 =	vmul.f32 v37, v11;
	v6 =	vadd.f32 v59, v6;
	v63 =	vmul.f32 v32, v32;
	v22 =	vld.idx.msk [tilespmem:v42+s24+$0x0], $0xffff  }
0x107: {  	v37 =	vld.idx.msk [tilespmem:v5+s23+$0x0], $0xffff;
	v42 =	vmul.f32 v24, v24;
	v9 =	vadd.f32 v61, v17;
	v8 =	vadd.f32 v60, v8  }
0x108: {  	v43 =	vmul.f32 v43, v12;
	v6 =	vadd.f32 v62, v6;
	v45 =	vmul.f32 v34, v34;
	v17 =	vld.idx.msk [tilespmem:v18+s24+$0x0], $0xffff  }
0x109: {  	v5 =	vld.idx.msk [tilespmem:v5+s24+$0x0], $0xffff;
	v48 =	vmul.f32 v23, v23;
	v9 =	vadd.f32 v42, v9;
	v8 =	vadd.f32 v63, v8  }
0x10a: {  	v49 =	vmul.f32 v33, v13;
	v6 =	vadd.f32 v43, v6;
	v50 =	vmul.f32 v38, v38;
	v18 =	vld.idx.msk [tilespmem:v4+s23+$0x0], $0xffff  }
0x10b: {  	v13 =	vld.idx.msk [tilespmem:v3+s23+$0x0], $0xffff;
	v51 =	vmul.f32 v22, v22;
	v9 =	vadd.f32 v48, v9;
	v8 =	vadd.f32 v45, v8  }
0x10c: {  	v52 =	vmul.f32 v36, v14;
	v53 =	vmul.f32 v37, v37;
	v6 =	vadd.f32 v49, v6;
	v4 =	vld.idx.msk [tilespmem:v4+s24+$0x0], $0xffff  }
0x10d: {  	v14 =	vld.idx.msk [tilespmem:v2+s23+$0x0], $0xffff;
	v54 =	vmul.f32 v17, v17;
	v9 =	vadd.f32 v51, v9;
	v8 =	vadd.f32 v50, v8  }
0x10e: {  	v3 =	vld.idx.msk [tilespmem:v3+s24+$0x0], $0xffff;
	v55 =	vmul.f32 v40, v15;
	v6 =	vadd.f32 v52, v6;
	v57 =	vmul.f32 v5, v5  }
0x10f: {  	v2 =	vld.idx.msk [tilespmem:v2+s24+$0x0], $0xffff;
	v56 =	vmul.f32 v18, v18;
	v9 =	vadd.f32 v54, v9;
	v8 =	vadd.f32 v53, v8  }
0x110: {  	v15 =	vld.idx.msk [tilespmem:v1+s23+$0x0], $0xffff;
	v59 =	vmul.f32 v13, v13;
	v58 =	vmul.f32 v41, v16;
	v6 =	vadd.f32 v55, v6  }
0x111: {  	v60 =	vmul.f32 v4, v4;
	v9 =	vadd.f32 v57, v9;
	v8 =	vadd.f32 v56, v8  }
0x112: {  	v1 =	vld.idx.msk [tilespmem:v1+s24+$0x0], $0xffff;
	v62 =	vmul.f32 v14, v14;
	v61 =	vmul.f32 v44, v19;
	v6 =	vadd.f32 v58, v6  }
0x113: {  	v63 =	vmul.f32 v3, v3;
	v9 =	vadd.f32 v60, v9;
	v8 =	vadd.f32 v59, v8  }
0x114: {  	v16 =	vmul.f32 v46, v20;
	v20 =	vmul.f32 v2, v2;
	v6 =	vadd.f32 v61, v6  }
0x115: {  	v19 =	vmul.f32 v15, v15;
	v9 =	vadd.f32 v63, v9;
	v8 =	vadd.f32 v62, v8  }
0x116: {  	v33 =	vmul.f32 v47, v21;
	v6 =	vadd.f32 v16, v6  }
0x117: {  	v36 =	vmul.f32 v1, v1;
	v9 =	vadd.f32 v20, v9;
	v8 =	vadd.f32 v19, v8  }
0x118: {  	v39 =	vmul.f32 v39, v27;
	v6 =	vadd.f32 v33, v6  }
0x119: {  	v9 =	vadd.f32 v36, v9;
	v40 =	vshra.s32 v8, $0x1;
	v8 =	vmul.f32 $5.000000000e-01, v8  }
0x11a: {  	v41 =	vmul.f32 v35, v28;
	v6 =	vadd.f32 v39, v6;
	v10 =	vsub.s32 $0x5F3759DF, v40  }
0x11b: {  	v43 =	vshra.s32 v9, $0x1;
	v9 =	vmul.f32 $5.000000000e-01, v9;
	v42 =	vmul.f32 v10, v8  }
0x11c: {  	v44 =	vmul.f32 v26, v29;
	v6 =	vadd.f32 v41, v6;
	v12 =	vsub.s32 $0x5F3759DF, v43  }
0x11d: {  	v45 =	vmul.f32 v12, v9;
	v11 =	vmul.f32 v10, v42  }
0x11e: {  	v46 =	vmul.f32 v25, v30;
	v6 =	vadd.f32 v44, v6  }
0x11f: {  	v16 =	vmul.f32 v12, v45;
	v11 =	vsub.f32 $1.500000000e+00, v11  }
0x120: {  	v47 =	vmul.f32 v24, v31;
	v6 =	vadd.f32 v46, v6  }
0x121: {  	v48 =	vsub.f32 $1.500000000e+00, v16;
	v10 =	vmul.f32 v10, v11  }
0x122: {  	v49 =	vmul.f32 v23, v32;
	v6 =	vadd.f32 v47, v6  }
0x123: {  	v11 =	vmul.f32 v12, v48;
	v50 =	vmul.f32 v10, v8  }
0x124: {  	v51 =	vmul.f32 v22, v34;
	v6 =	vadd.f32 v49, v6  }
0x125: {  	v53 =	vmul.f32 v11, v9;
	v52 =	vmul.f32 v50, v10  }
0x126: {  	v54 =	vmul.f32 v17, v38;
	v6 =	vadd.f32 v51, v6  }
0x127: {  	v16 =	vmul.f32 v53, v11;
	v12 =	vsub.f32 $1.500000000e+00, v52  }
0x128: {  	v5 =	vmul.f32 v5, v37;
	v6 =	vadd.f32 v54, v6  }
0x129: {  	v56 =	vsub.f32 $1.500000000e+00, v16;
	v55 =	vmul.f32 v12, v10  }
0x12a: {  	v4 =	vmul.f32 v4, v18;
	v5 =	vadd.f32 v5, v6  }
0x12b: {  	v58 =	vmul.f32 v56, v11;
	v57 =	vmul.f32 v55, v8  }
0x12c: {  	v3 =	vmul.f32 v3, v13;
	v4 =	vadd.f32 v4, v5  }
0x12d: {  	v60 =	vmul.f32 v58, v9;
	v59 =	vmul.f32 v57, v55  }
0x12e: {  	v2 =	vmul.f32 v2, v14;
	v3 =	vadd.f32 v3, v4  }
0x12f: {  	v62 =	vmul.f32 v60, v58;
	v61 =	vsub.f32 $1.500000000e+00, v59  }
0x130: {  	v1 =	vmul.f32 v1, v15;
	v2 =	vadd.f32 v2, v3  }
0x131: {  	v63 =	vsub.f32 $1.500000000e+00, v62;
	v3 =	vmul.f32 v61, v55  }
0x132: {  	v1 =	vadd.f32 v1, v2  }
0x133: {  	v2 =	vmin.f32 v3, $1.000000000e+00;
	v3 =	vmul.f32 v63, v58  }
0x134: {  	v1 =	vmul.f32 v2, v1  }
0x135: {  	v2 =	vmin.f32 v3, $1.000000000e+00  }
0x136: {  	v1 =	vmul.f32 v2, v1;
	_ =	sdelay $0x1  }
0x137: {  	v1 =	vsub.f32 $0.0e+00, v1;
	_ =	sdelay $0x1  }
0x138: {  	v1 =	vmul.f32 $1.442695020e+00, v1;
	_ =	sdelay $0x1  }
0x139: {  	(erf) = vpow2.f32 v1;
	_ =	sdelay $0x8  }
0x13a: {  	v1 =	vpop (erf)  }
0x13b: {  	v1 =	vadd.f32 $1.000000000e+00, v1;
	_ =	sdelay $0x1  }
0x13c: {  	(erf) = vrcp.f32 v1;
	_ =	sdelay $0x1  }
0x13d: {  	s26 =	simm.s32 $0x20  }
0x13e: {  	v2 =	vmov s26  }
0x13f: {  	v2 =	vshll.u32 v2, $0x5  }
0x140: {  	s28 =	simm.s32 $0x30;
	s26 =	simm.s32 $0x8400;
	v1 =	vor.u32 v0, v2  }
.LBB2_2:
0x141: {  	p0 =	sne.s32 s28, $0x1F0;
	v2 =	vor.u32 $0x2, v1  }
0x142: {  	v3 =	vor.u32 $0x1, v1;
	_ =	sdelay $0x1  }
0x143: {  	s26 =	sadd.s32 $0x10, s26;
	v4 =	vpop (erf)  }
0x144: {  	[tilespmem:s26+$0x0] =	vst v4  }
0x145: {  	v4 =	vor.u32 $0x3, v1;
	v21 =	vld.idx.msk [tilespmem:v2+s23+$0x0], $0xffff  }
0x146: {  	v37 =	vld.idx.msk [tilespmem:v3+s23+$0x0], $0xffff  }
0x147: {  	v5 =	vor.u32 $0x4, v1;
	v20 =	vld.idx.msk [tilespmem:v1+s23+$0x0], $0xffff  }
0x148: {  	v40 =	vld.idx.msk [tilespmem:v3+s24+$0x0], $0xffff  }
0x149: {  	v3 =	vor.u32 $0x5, v1;
	v38 =	vld.idx.msk [tilespmem:v1+s24+$0x0], $0xffff  }
0x14a: {  	v23 =	vld.idx.msk [tilespmem:v4+s23+$0x0], $0xffff  }
0x14b: {  	v6 =	vor.u32 $0x6, v1;
	v39 =	vld.idx.msk [tilespmem:v2+s24+$0x0], $0xffff  }
0x14c: {  	v19 =	vld.idx.msk [tilespmem:v5+s23+$0x0], $0xffff  }
0x14d: {  	v10 =	vor.u32 $0x7, v1;
	v7 =	vmul.f32 v37, v37;
	v2 =	vmul.f32 v20, v20;
	v24 =	vld.idx.msk [tilespmem:v4+s24+$0x0], $0xffff  }
0x14e: {  	v11 =	vor.u32 $0x8, v1;
	v4 =	vmul.f32 v21, v21;
	v17 =	vld.idx.msk [tilespmem:v3+s23+$0x0], $0xffff  }
0x14f: {  	v12 =	vmul.f32 v40, v40;
	v8 =	vmul.f32 v38, v38;
	v9 =	vadd.f32 v7, v2;
	v25 =	vld.idx.msk [tilespmem:v5+s24+$0x0], $0xffff  }
0x150: {  	v13 =	vor.u32 $0x9, v1;
	v2 =	vor.u32 $0x1F, v1;
	v5 =	vmul.f32 v23, v23;
	v7 =	vld.idx.msk [tilespmem:v6+s23+$0x0], $0xffff  }
0x151: {  	v12 =	vadd.f32 v12, v8;
	v4 =	vadd.f32 v4, v9;
	v9 =	vmul.f32 v39, v39;
	v26 =	vld.idx.msk [tilespmem:v3+s24+$0x0], $0xffff  }
0x152: {  	v15 =	vor.u32 $0xA, v1;
	v14 =	vmul.f32 v19, v19;
	v3 =	vor.u32 $0x1E, v1;
	v8 =	vld.idx.msk [tilespmem:v10+s23+$0x0], $0xffff  }
0x153: {  	v12 =	vadd.f32 v9, v12;
	v5 =	vadd.f32 v5, v4;
	v16 =	vmul.f32 v24, v24;
	v27 =	vld.idx.msk [tilespmem:v6+s24+$0x0], $0xffff  }
0x154: {  	v18 =	vor.u32 $0xB, v1;
	v4 =	vor.u32 $0x1D, v1;
	v6 =	vmul.f32 v17, v17;
	v9 =	vld.idx.msk [tilespmem:v11+s23+$0x0], $0xffff  }
0x155: {  	v12 =	vadd.f32 v16, v12;
	v14 =	vadd.f32 v14, v5;
	v16 =	vmul.f32 v25, v25;
	v28 =	vld.idx.msk [tilespmem:v10+s24+$0x0], $0xffff  }
0x156: {  	v33 =	vor.u32 $0xC, v1;
	v5 =	vor.u32 $0x1C, v1;
	v22 =	vmul.f32 v7, v7;
	v10 =	vld.idx.msk [tilespmem:v13+s23+$0x0], $0xffff  }
0x157: {  	v12 =	vadd.f32 v16, v12;
	v14 =	vadd.f32 v6, v14;
	v16 =	vmul.f32 v26, v26;
	v29 =	vld.idx.msk [tilespmem:v11+s24+$0x0], $0xffff  }
0x158: {  	v34 =	vor.u32 $0xD, v1;
	v6 =	vor.u32 $0x1B, v1;
	v31 =	vmul.f32 v8, v8;
	v11 =	vld.idx.msk [tilespmem:v15+s23+$0x0], $0xffff  }
0x159: {  	v16 =	vadd.f32 v16, v12;
	v14 =	vadd.f32 v22, v14;
	v32 =	vmul.f32 v27, v27;
	v30 =	vld.idx.msk [tilespmem:v13+s24+$0x0], $0xffff  }
0x15a: {  	v36 =	vor.u32 $0xE, v1;
	v22 =	vor.u32 $0x1A, v1;
	v35 =	vmul.f32 v9, v9;
	v12 =	vld.idx.msk [tilespmem:v18+s23+$0x0], $0xffff  }
0x15b: {  	v16 =	vadd.f32 v32, v16;
	v14 =	vadd.f32 v31, v14;
	v32 =	vmul.f32 v28, v28;
	v31 =	vld.idx.msk [tilespmem:v15+s24+$0x0], $0xffff  }
0x15c: {  	v42 =	vor.u32 $0xF, v1;
	v41 =	vor.u32 $0x19, v1;
	v15 =	vmul.f32 v10, v10;
	v13 =	vld.idx.msk [tilespmem:v33+s23+$0x0], $0xffff  }
0x15d: {  	v16 =	vadd.f32 v32, v16;
	v35 =	vadd.f32 v35, v14;
	v43 =	vmul.f32 v29, v29;
	v32 =	vld.idx.msk [tilespmem:v18+s24+$0x0], $0xffff  }
0x15e: {  	v44 =	vor.u32 $0x10, v1;
	v45 =	vor.u32 $0x18, v1;
	v18 =	vmul.f32 v11, v11;
	v14 =	vld.idx.msk [tilespmem:v34+s23+$0x0], $0xffff  }
0x15f: {  	v16 =	vadd.f32 v43, v16;
	v35 =	vadd.f32 v15, v35;
	v43 =	vmul.f32 v30, v30;
	v33 =	vld.idx.msk [tilespmem:v33+s24+$0x0], $0xffff  }
0x160: {  	v47 =	vor.u32 $0x11, v1;
	v48 =	vor.u32 $0x17, v1;
	v46 =	vmul.f32 v12, v12;
	v15 =	vld.idx.msk [tilespmem:v36+s23+$0x0], $0xffff  }
0x161: {  	v43 =	vadd.f32 v43, v16;
	v18 =	vadd.f32 v18, v35;
	v35 =	vmul.f32 v31, v31;
	v34 =	vld.idx.msk [tilespmem:v34+s24+$0x0], $0xffff  }
0x162: {  	v50 =	vor.u32 $0x12, v1;
	v51 =	vor.u32 $0x16, v1;
	v49 =	vmul.f32 v13, v13;
	v16 =	vld.idx.msk [tilespmem:v42+s23+$0x0], $0xffff  }
0x163: {  	v43 =	vadd.f32 v35, v43;
	v46 =	vadd.f32 v46, v18;
	v52 =	vmul.f32 v32, v32;
	v35 =	vld.idx.msk [tilespmem:v36+s24+$0x0], $0xffff  }
0x164: {  	v54 =	vor.u32 $0x13, v1;
	v55 =	vor.u32 $0x15, v1;
	v53 =	vmul.f32 v14, v14;
	v18 =	vld.idx.msk [tilespmem:v44+s23+$0x0], $0xffff  }
0x165: {  	v43 =	vadd.f32 v52, v43;
	v46 =	vadd.f32 v49, v46;
	v49 =	vmul.f32 v33, v33;
	v36 =	vld.idx.msk [tilespmem:v42+s24+$0x0], $0xffff  }
0x166: {  	v56 =	vor.u32 $0x14, v1;
	v42 =	vmul.f32 v38, v20;
	v52 =	vmul.f32 v15, v15;
	v20 =	vld.idx.msk [tilespmem:v47+s23+$0x0], $0xffff  }
0x167: {  	v43 =	vadd.f32 v49, v43;
	v46 =	vadd.f32 v53, v46;
	v49 =	vmul.f32 v34, v34;
	v38 =	vld.idx.msk [tilespmem:v44+s24+$0x0], $0xffff  }
0x168: {  	v40 =	vmul.f32 v40, v37;
	v42 =	vadd.f32 $0.0e+00, v42;
	v44 =	vmul.f32 v16, v16;
	v1 =	vld.idx.msk [tilespmem:v50+s23+$0x0], $0xffff  }
0x169: {  	v43 =	vadd.f32 v49, v43;
	v46 =	vadd.f32 v52, v46;
	v49 =	vmul.f32 v35, v35;
	v37 =	vld.idx.msk [tilespmem:v47+s24+$0x0], $0xffff  }
0x16a: {  	v40 =	vadd.f32 v40, v42;
	v42 =	vmul.f32 v39, v21;
	v47 =	vmul.f32 v18, v18;
	v21 =	vld.idx.msk [tilespmem:v54+s23+$0x0], $0xffff  }
0x16b: {  	v43 =	vadd.f32 v49, v43;
	v44 =	vadd.f32 v44, v46;
	v46 =	vmul.f32 v36, v36;
	v39 =	vld.idx.msk [tilespmem:v50+s24+$0x0], $0xffff  }
0x16c: {  	v40 =	vadd.f32 v42, v40;
	v42 =	vmul.f32 v24, v23;
	v49 =	vmul.f32 v20, v20;
	v23 =	vld.idx.msk [tilespmem:v56+s23+$0x0], $0xffff  }
0x16d: {  	v43 =	vadd.f32 v46, v43;
	v44 =	vadd.f32 v47, v44;
	v46 =	vmul.f32 v38, v38;
	v24 =	vld.idx.msk [tilespmem:v54+s24+$0x0], $0xffff  }
0x16e: {  	v40 =	vadd.f32 v42, v40;
	v42 =	vmul.f32 v25, v19;
	v47 =	vmul.f32 v1, v1;
	v19 =	vld.idx.msk [tilespmem:v55+s23+$0x0], $0xffff  }
0x16f: {  	v43 =	vadd.f32 v46, v43;
	v44 =	vadd.f32 v49, v44;
	v46 =	vmul.f32 v37, v37;
	v25 =	vld.idx.msk [tilespmem:v56+s24+$0x0], $0xffff  }
0x170: {  	v40 =	vadd.f32 v42, v40;
	v42 =	vmul.f32 v26, v17;
	v49 =	vmul.f32 v21, v21;
	v17 =	vld.idx.msk [tilespmem:v51+s23+$0x0], $0xffff  }
0x171: {  	v43 =	vadd.f32 v46, v43;
	v44 =	vadd.f32 v47, v44;
	v46 =	vmul.f32 v39, v39;
	v26 =	vld.idx.msk [tilespmem:v55+s24+$0x0], $0xffff  }
0x172: {  	v40 =	vadd.f32 v42, v40;
	v42 =	vmul.f32 v27, v7;
	v47 =	vmul.f32 v23, v23;
	v7 =	vld.idx.msk [tilespmem:v48+s23+$0x0], $0xffff  }
0x173: {  	v43 =	vadd.f32 v46, v43;
	v44 =	vadd.f32 v49, v44;
	v46 =	vmul.f32 v24, v24;
	v27 =	vld.idx.msk [tilespmem:v51+s24+$0x0], $0xffff  }
0x174: {  	v40 =	vadd.f32 v42, v40;
	v42 =	vmul.f32 v28, v8;
	v49 =	vmul.f32 v19, v19;
	v8 =	vld.idx.msk [tilespmem:v45+s23+$0x0], $0xffff  }
0x175: {  	v43 =	vadd.f32 v46, v43;
	v44 =	vadd.f32 v47, v44;
	v46 =	vmul.f32 v25, v25;
	v28 =	vld.idx.msk [tilespmem:v48+s24+$0x0], $0xffff  }
0x176: {  	v40 =	vadd.f32 v42, v40;
	v42 =	vmul.f32 v29, v9;
	v47 =	vmul.f32 v17, v17;
	v9 =	vld.idx.msk [tilespmem:v41+s23+$0x0], $0xffff  }
0x177: {  	v43 =	vadd.f32 v46, v43;
	v44 =	vadd.f32 v49, v44;
	v46 =	vmul.f32 v26, v26;
	v29 =	vld.idx.msk [tilespmem:v45+s24+$0x0], $0xffff  }
0x178: {  	v30 =	vmul.f32 v30, v10;
	v40 =	vadd.f32 v42, v40;
	v42 =	vmul.f32 v7, v7;
	v10 =	vld.idx.msk [tilespmem:v22+s23+$0x0], $0xffff  }
0x179: {  	v43 =	vadd.f32 v46, v43;
	v44 =	vadd.f32 v47, v44;
	v45 =	vmul.f32 v27, v27;
	v41 =	vld.idx.msk [tilespmem:v41+s24+$0x0], $0xffff  }
0x17a: {  	v31 =	vmul.f32 v31, v11;
	v30 =	vadd.f32 v30, v40;
	v40 =	vmul.f32 v8, v8;
	v11 =	vld.idx.msk [tilespmem:v6+s23+$0x0], $0xffff  }
0x17b: {  	v43 =	vadd.f32 v45, v43;
	v42 =	vadd.f32 v42, v44;
	v44 =	vmul.f32 v28, v28;
	v22 =	vld.idx.msk [tilespmem:v22+s24+$0x0], $0xffff  }
0x17c: {  	v12 =	vmul.f32 v32, v12;
	v30 =	vadd.f32 v31, v30;
	v31 =	vmul.f32 v9, v9;
	v32 =	vld.idx.msk [tilespmem:v5+s23+$0x0], $0xffff  }
0x17d: {  	v43 =	vadd.f32 v44, v43;
	v40 =	vadd.f32 v40, v42;
	v42 =	vmul.f32 v29, v29;
	v6 =	vld.idx.msk [tilespmem:v6+s24+$0x0], $0xffff  }
0x17e: {  	v13 =	vmul.f32 v33, v13;
	v12 =	vadd.f32 v12, v30;
	v30 =	vmul.f32 v10, v10;
	v33 =	vld.idx.msk [tilespmem:v4+s23+$0x0], $0xffff  }
0x17f: {  	v42 =	vadd.f32 v42, v43;
	v31 =	vadd.f32 v31, v40;
	v40 =	vmul.f32 v41, v41;
	v5 =	vld.idx.msk [tilespmem:v5+s24+$0x0], $0xffff  }
0x180: {  	v12 =	vadd.f32 v13, v12;
	v13 =	vmul.f32 v34, v14;
	v14 =	vmul.f32 v11, v11;
	v34 =	vld.idx.msk [tilespmem:v3+s23+$0x0], $0xffff  }
0x181: {  	v40 =	vadd.f32 v40, v42;
	v30 =	vadd.f32 v30, v31;
	v31 =	vmul.f32 v22, v22;
	v4 =	vld.idx.msk [tilespmem:v4+s24+$0x0], $0xffff  }
0x182: {  	v12 =	vadd.f32 v13, v12;
	v13 =	vmul.f32 v35, v15;
	v15 =	vmul.f32 v32, v32;
	v35 =	vld.idx.msk [tilespmem:v2+s23+$0x0], $0xffff  }
0x183: {  	v31 =	vadd.f32 v31, v40;
	v14 =	vadd.f32 v14, v30;
	v30 =	vmul.f32 v6, v6;
	v3 =	vld.idx.msk [tilespmem:v3+s24+$0x0], $0xffff  }
0x184: {  	v12 =	vadd.f32 v13, v12;
	v13 =	vmul.f32 v36, v16;
	v16 =	vmul.f32 v33, v33  }
0x185: {  	v30 =	vadd.f32 v30, v31;
	v14 =	vadd.f32 v15, v14;
	v15 =	vmul.f32 v5, v5;
	v2 =	vld.idx.msk [tilespmem:v2+s24+$0x0], $0xffff  }
0x186: {  	v12 =	vadd.f32 v13, v12;
	v13 =	vmul.f32 v38, v18;
	v18 =	vmul.f32 v34, v34  }
0x187: {  	v15 =	vadd.f32 v15, v30;
	v14 =	vadd.f32 v16, v14;
	v16 =	vmul.f32 v4, v4  }
0x188: {  	v12 =	vadd.f32 v13, v12;
	v13 =	vmul.f32 v37, v20;
	v20 =	vmul.f32 v35, v35  }
0x189: {  	v15 =	vadd.f32 v16, v15;
	v14 =	vadd.f32 v18, v14;
	v16 =	vmul.f32 v3, v3  }
0x18a: {  	v1 =	vmul.f32 v39, v1;
	v12 =	vadd.f32 v13, v12  }
0x18b: {  	v13 =	vadd.f32 v16, v15;
	v14 =	vadd.f32 v20, v14;
	v15 =	vmul.f32 v2, v2  }
0x18c: {  	v1 =	vadd.f32 v1, v12;
	v12 =	vmul.f32 v24, v21  }
0x18d: {  	v13 =	vadd.f32 v15, v13;
	v15 =	vshra.s32 v14, $0x1;
	v14 =	vmul.f32 $5.000000000e-01, v14  }
0x18e: {  	v1 =	vadd.f32 v12, v1;
	v12 =	vmul.f32 v25, v23;
	v15 =	vsub.s32 $0x5F3759DF, v15  }
0x18f: {  	v16 =	vmul.f32 v15, v14;
	v18 =	vshra.s32 v13, $0x1;
	v13 =	vmul.f32 $5.000000000e-01, v13  }
0x190: {  	v1 =	vadd.f32 v12, v1;
	v12 =	vmul.f32 v26, v19;
	v18 =	vsub.s32 $0x5F3759DF, v18  }
0x191: {  	v16 =	vmul.f32 v15, v16;
	v19 =	vmul.f32 v18, v13  }
0x192: {  	v1 =	vadd.f32 v12, v1;
	v12 =	vmul.f32 v27, v17  }
0x193: {  	v16 =	vsub.f32 $1.500000000e+00, v16;
	v17 =	vmul.f32 v18, v19  }
0x194: {  	v7 =	vmul.f32 v28, v7;
	v1 =	vadd.f32 v12, v1  }
0x195: {  	v12 =	vmul.f32 v15, v16;
	v15 =	vsub.f32 $1.500000000e+00, v17  }
0x196: {  	v1 =	vadd.f32 v7, v1;
	v7 =	vmul.f32 v29, v8  }
0x197: {  	v8 =	vmul.f32 v12, v14;
	v15 =	vmul.f32 v18, v15  }
0x198: {  	v1 =	vadd.f32 v7, v1;
	v7 =	vmul.f32 v41, v9  }
0x199: {  	v8 =	vmul.f32 v8, v12;
	v9 =	vmul.f32 v15, v13  }
0x19a: {  	v1 =	vadd.f32 v7, v1;
	v7 =	vmul.f32 v22, v10  }
0x19b: {  	v8 =	vsub.f32 $1.500000000e+00, v8;
	v9 =	vmul.f32 v9, v15  }
0x19c: {  	v6 =	vmul.f32 v6, v11;
	v1 =	vadd.f32 v7, v1  }
0x19d: {  	v7 =	vmul.f32 v8, v12;
	v8 =	vsub.f32 $1.500000000e+00, v9  }
0x19e: {  	v5 =	vmul.f32 v5, v32;
	v1 =	vadd.f32 v6, v1  }
0x19f: {  	v6 =	vmul.f32 v7, v14;
	v8 =	vmul.f32 v8, v15  }
0x1a0: {  	v4 =	vmul.f32 v4, v33;
	v1 =	vadd.f32 v5, v1  }
0x1a1: {  	v5 =	vmul.f32 v6, v7;
	v6 =	vmul.f32 v8, v13  }
0x1a2: {  	v3 =	vmul.f32 v3, v34;
	v1 =	vadd.f32 v4, v1  }
0x1a3: {  	v4 =	vsub.f32 $1.500000000e+00, v5;
	v5 =	vmul.f32 v6, v8  }
0x1a4: {  	v2 =	vmul.f32 v2, v35;
	v1 =	vadd.f32 v3, v1  }
0x1a5: {  	v3 =	vmul.f32 v4, v7;
	v4 =	vsub.f32 $1.500000000e+00, v5  }
0x1a6: {  	v1 =	vadd.f32 v2, v1  }
0x1a7: {  	v2 =	vmin.f32 v3, $1.000000000e+00;
	v3 =	vmul.f32 v4, v8  }
0x1a8: {  	v1 =	vmul.f32 v2, v1  }
0x1a9: {  	v2 =	vmin.f32 v3, $1.000000000e+00  }
0x1aa: {  	v1 =	vmul.f32 v2, v1;
	_ =	sdelay $0x1  }
0x1ab: {  	v1 =	vsub.f32 $0.0e+00, v1;
	_ =	sdelay $0x1  }
0x1ac: {  	v1 =	vmul.f32 $1.442695020e+00, v1;
	_ =	sdelay $0x1  }
0x1ad: {  	(erf) = vpow2.f32 v1;
	_ =	sdelay $0x8  }
0x1ae: {  	v1 =	vpop (erf)  }
0x1af: {  	v1 =	vadd.f32 $1.000000000e+00, v1;
	_ =	sdelay $0x1  }
0x1b0: {  	(erf) = vrcp.f32 v1  }
.Ltmp0:
0x1b1: {  	(pc) =	sbr.rel @p0 .LBB2_2-.Ltmp0, $4  }
0x1b2: {  	_ = 	snop  }
0x1b3: {  	v1 =	vmov s28  }
0x1b4: {  	v1 =	vshll.u32 v1, $0x5  }
0x1b5: {  	s28 =	sadd.s32 $0x10, s28;
	v1 =	vor.u32 v0, v1  }
0x1b6: {  	v2 =	vor.u32 $0x2, v1  }
0x1b7: {  	v3 =	vor.u32 $0x1, v1;
	_ =	sdelay $0x1  }
0x1b8: {  	s26 =	sadd.s32 $0x10, s26;
	v4 =	vpop (erf)  }
0x1b9: {  	[tilespmem:s26+$0x0] =	vst v4  }
0x1ba: {  	v44 =	vor.u32 $0x3, v1;
	v22 =	vld.idx.msk [tilespmem:v2+s23+$0x0], $0xffff  }
0x1bb: {  	v21 =	vld.idx.msk [tilespmem:v3+s23+$0x0], $0xffff  }
0x1bc: {  	v5 =	vor.u32 $0x4, v1;
	v23 =	vld.idx.msk [tilespmem:v1+s23+$0x0], $0xffff  }
0x1bd: {  	v24 =	vld.idx.msk [tilespmem:v3+s24+$0x0], $0xffff  }
0x1be: {  	v25 =	vld.idx.msk [tilespmem:v1+s24+$0x0], $0xffff  }
0x1bf: {  	v6 =	vor.u32 $0x6, v1;
	v26 =	vld.idx.msk [tilespmem:v44+s23+$0x0], $0xffff  }
0x1c0: {  	v11 =	vor.u32 $0x7, v1;
	v27 =	vld.idx.msk [tilespmem:v2+s24+$0x0], $0xffff  }
0x1c1: {  	v12 =	vor.u32 $0x8, v1;
	v18 =	vld.idx.msk [tilespmem:v5+s23+$0x0], $0xffff  }
0x1c2: {  	v3 =	vor.u32 $0x5, v1;
	v28 =	vld.idx.msk [tilespmem:v44+s24+$0x0], $0xffff  }
0x1c3: {  	v29 =	vld.idx.msk [tilespmem:v5+s24+$0x0], $0xffff  }
0x1c4: {  	v31 =	vld.idx.msk [tilespmem:v6+s24+$0x0], $0xffff;
	v2 =	vmul.f32 v23, v23;
	v8 =	vmul.f32 v21, v21  }
0x1c5: {  	v14 =	vor.u32 $0x9, v1;
	v32 =	vld.idx.msk [tilespmem:v11+s24+$0x0], $0xffff;
	v45 =	vmul.f32 v22, v22  }
0x1c6: {  	v34 =	vld.idx.msk [tilespmem:v12+s24+$0x0], $0xffff;
	v9 =	vmul.f32 v25, v25;
	v13 =	vmul.f32 v24, v24;
	v10 =	vadd.f32 v8, v2  }
0x1c7: {  	v20 =	vor.u32 $0xB, v1;
	v7 =	vld.idx.msk [tilespmem:v3+s23+$0x0], $0xffff;
	v46 =	vmul.f32 v26, v26  }
0x1c8: {  	v47 =	vmul.f32 v27, v27;
	v30 =	vld.idx.msk [tilespmem:v3+s24+$0x0], $0xffff;
	v13 =	vadd.f32 v13, v9;
	v4 =	vadd.f32 v45, v10  }
0x1c9: {  	v16 =	vor.u32 $0xA, v1;
	v33 =	vor.u32 $0xC, v1;
	v15 =	vmul.f32 v18, v18;
	v8 =	vld.idx.msk [tilespmem:v6+s23+$0x0], $0xffff  }
0x1ca: {  	v38 =	vld.idx.msk [tilespmem:v14+s24+$0x0], $0xffff;
	v17 =	vmul.f32 v28, v28;
	v13 =	vadd.f32 v47, v13;
	v5 =	vadd.f32 v46, v4  }
0x1cb: {  	v36 =	vor.u32 $0xD, v1;
	v40 =	vor.u32 $0xE, v1;
	v49 =	vmul.f32 v29, v29;
	v9 =	vld.idx.msk [tilespmem:v11+s23+$0x0], $0xffff  }
0x1cc: {  	v43 =	vld.idx.msk [tilespmem:v20+s24+$0x0], $0xffff;
	v48 =	vmul.f32 v7, v7;
	v13 =	vadd.f32 v17, v13;
	v15 =	vadd.f32 v15, v5  }
0x1cd: {  	v41 =	vor.u32 $0xF, v1;
	v37 =	vmul.f32 v31, v31;
	v10 =	vld.idx.msk [tilespmem:v12+s23+$0x0], $0xffff;
	v50 =	vmul.f32 v30, v30  }
0x1ce: {  	v19 =	vmul.f32 v8, v8;
	v13 =	vadd.f32 v49, v13;
	v15 =	vadd.f32 v48, v15  }
0x1cf: {  	v42 =	vor.u32 $0x19, v1;
	v51 =	vmul.f32 v32, v32;
	v54 =	vmul.f32 v34, v34;
	v11 =	vld.idx.msk [tilespmem:v14+s23+$0x0], $0xffff  }
0x1d0: {  	v14 =	vld.idx.msk [tilespmem:v33+s23+$0x0], $0xffff;
	v35 =	vmul.f32 v9, v9;
	v17 =	vadd.f32 v50, v13;
	v15 =	vadd.f32 v19, v15  }
0x1d1: {  	v44 =	vor.u32 $0x10, v1;
	v56 =	vmul.f32 v38, v38;
	v59 =	vmul.f32 v43, v43;
	v12 =	vld.idx.msk [tilespmem:v16+s23+$0x0], $0xffff  }
0x1d2: {  	v39 =	vmul.f32 v10, v10;
	v13 =	vld.idx.msk [tilespmem:v20+s23+$0x0], $0xffff;
	v17 =	vadd.f32 v37, v17;
	v15 =	vadd.f32 v35, v15  }
0x1d3: {  	v3 =	vor.u32 $0x1E, v1;
	v23 =	vmul.f32 v25, v23;
	v24 =	vmul.f32 v24, v21;
	v37 =	vld.idx.msk [tilespmem:v16+s24+$0x0], $0xffff  }
0x1d4: {  	v33 =	vld.idx.msk [tilespmem:v33+s24+$0x0], $0xffff;
	v52 =	vmul.f32 v11, v11;
	v17 =	vadd.f32 v51, v17;
	v53 =	vadd.f32 v39, v15  }
0x1d5: {  	v2 =	vor.u32 $0x1F, v1;
	v6 =	vor.u32 $0x1B, v1;
	v23 =	vadd.f32 $0.0e+00, v23  }
0x1d6: {  	v55 =	vmul.f32 v12, v12;
	v17 =	vadd.f32 v54, v17;
	v35 =	vadd.f32 v52, v53  }
0x1d7: {  	v45 =	vor.u32 $0x18, v1;
	v47 =	vor.u32 $0x11, v1;
	v46 =	vmul.f32 v13, v13;
	v15 =	vld.idx.msk [tilespmem:v36+s23+$0x0], $0xffff  }
0x1d8: {  	v16 =	vld.idx.msk [tilespmem:v40+s23+$0x0], $0xffff;
	v57 =	vmul.f32 v37, v37;
	v39 =	vadd.f32 v56, v17;
	v20 =	vadd.f32 v55, v35  }
0x1d9: {  	v4 =	vor.u32 $0x1D, v1;
	v60 =	vmul.f32 v33, v33;
	v5 =	vor.u32 $0x1C, v1;
	v36 =	vld.idx.msk [tilespmem:v36+s24+$0x0], $0xffff  }
0x1da: {  	v49 =	vmul.f32 v14, v14;
	v40 =	vld.idx.msk [tilespmem:v40+s24+$0x0], $0xffff;
	v35 =	vadd.f32 v57, v39;
	v58 =	vadd.f32 v46, v20  }
0x1db: {  	v48 =	vor.u32 $0x17, v1;
	v50 =	vor.u32 $0x12, v1;
	v19 =	vor.u32 $0x1A, v1;
	v17 =	vld.idx.msk [tilespmem:v41+s23+$0x0], $0xffff  }
0x1dc: {  	v41 =	vld.idx.msk [tilespmem:v41+s24+$0x0], $0xffff;
	v52 =	vmul.f32 v15, v15;
	v35 =	vadd.f32 v59, v35;
	v39 =	vadd.f32 v49, v58  }
0x1dd: {  	v51 =	vor.u32 $0x16, v1;
	v61 =	vmul.f32 v16, v16;
	v53 =	vor.u32 $0x13, v1;
	v20 =	vld.idx.msk [tilespmem:v44+s23+$0x0], $0xffff  }
0x1de: {  	v62 =	vmul.f32 v36, v36;
	v44 =	vld.idx.msk [tilespmem:v44+s24+$0x0], $0xffff;
	v35 =	vadd.f32 v60, v35;
	v39 =	vadd.f32 v52, v39  }
0x1df: {  	v54 =	vor.u32 $0x15, v1;
	v55 =	vmul.f32 v40, v40;
	v49 =	vor.u32 $0x14, v1;
	v1 =	vld.idx.msk [tilespmem:v47+s23+$0x0], $0xffff  }
0x1e0: {  	v46 =	vld.idx.msk [tilespmem:v47+s24+$0x0], $0xffff;
	v63 =	vmul.f32 v17, v17;
	v35 =	vadd.f32 v62, v35;
	v25 =	vadd.f32 v61, v39  }
0x1e1: {  	v22 =	vmul.f32 v27, v22;
	v23 =	vadd.f32 v24, v23;
	v21 =	vld.idx.msk [tilespmem:v50+s23+$0x0], $0xffff;
	v57 =	vmul.f32 v41, v41  }
0x1e2: {  	v27 =	vld.idx.msk [tilespmem:v53+s23+$0x0], $0xffff;
	v56 =	vmul.f32 v20, v20;
	v35 =	vadd.f32 v55, v35;
	v25 =	vadd.f32 v63, v25  }
0x1e3: {  	v22 =	vadd.f32 v22, v23;
	v47 =	vld.idx.msk [tilespmem:v50+s24+$0x0], $0xffff;
	v58 =	vmul.f32 v28, v26;
	v60 =	vmul.f32 v44, v44  }
0x1e4: {  	v39 =	vld.idx.msk [tilespmem:v53+s24+$0x0], $0xffff;
	v59 =	vmul.f32 v1, v1;
	v35 =	vadd.f32 v57, v35;
	v24 =	vadd.f32 v56, v25  }
0x1e5: {  	v18 =	vmul.f32 v29, v18;
	v22 =	vadd.f32 v58, v22;
	v62 =	vmul.f32 v46, v46;
	v28 =	vld.idx.msk [tilespmem:v49+s23+$0x0], $0xffff  }
0x1e6: {  	v29 =	vld.idx.msk [tilespmem:v54+s23+$0x0], $0xffff;
	v61 =	vmul.f32 v21, v21;
	v25 =	vadd.f32 v60, v35;
	v24 =	vadd.f32 v59, v24  }
0x1e7: {  	v7 =	vmul.f32 v30, v7;
	v18 =	vadd.f32 v18, v22;
	v63 =	vmul.f32 v27, v27;
	v35 =	vld.idx.msk [tilespmem:v49+s24+$0x0], $0xffff  }
0x1e8: {  	v26 =	vld.idx.msk [tilespmem:v54+s24+$0x0], $0xffff;
	v49 =	vmul.f32 v47, v47;
	v25 =	vadd.f32 v62, v25;
	v23 =	vadd.f32 v61, v24  }
0x1e9: {  	v8 =	vmul.f32 v31, v8;
	v30 =	vld.idx.msk [tilespmem:v51+s23+$0x0], $0xffff;
	v7 =	vadd.f32 v7, v18;
	v52 =	vmul.f32 v39, v39  }
0x1ea: {  	v31 =	vld.idx.msk [tilespmem:v48+s23+$0x0], $0xffff;
	v50 =	vmul.f32 v28, v28;
	v24 =	vadd.f32 v49, v25;
	v22 =	vadd.f32 v63, v23  }
0x1eb: {  	v54 =	vmul.f32 v29, v29;
	v53 =	vmul.f32 v32, v9;
	v7 =	vadd.f32 v8, v7;
	v25 =	vld.idx.msk [tilespmem:v51+s24+$0x0], $0xffff  }
0x1ec: {  	v32 =	vld.idx.msk [tilespmem:v45+s23+$0x0], $0xffff;
	v55 =	vmul.f32 v35, v35;
	v23 =	vadd.f32 v52, v24;
	v18 =	vadd.f32 v50, v22  }
0x1ed: {  	v58 =	vmul.f32 v26, v26;
	v56 =	vmul.f32 v34, v10;
	v7 =	vadd.f32 v53, v7;
	v24 =	vld.idx.msk [tilespmem:v48+s24+$0x0], $0xffff  }
0x1ee: {  	v57 =	vmul.f32 v30, v30;
	v34 =	vld.idx.msk [tilespmem:v42+s23+$0x0], $0xffff;
	v22 =	vadd.f32 v55, v23;
	v9 =	vadd.f32 v54, v18  }
0x1ef: {  	v60 =	vmul.f32 v31, v31;
	v59 =	vmul.f32 v38, v11;
	v7 =	vadd.f32 v56, v7;
	v23 =	vld.idx.msk [tilespmem:v45+s24+$0x0], $0xffff  }
0x1f0: {  	v38 =	vld.idx.msk [tilespmem:v19+s23+$0x0], $0xffff;
	v61 =	vmul.f32 v25, v25;
	v18 =	vadd.f32 v58, v22;
	v9 =	vadd.f32 v57, v9  }
0x1f1: {  	v62 =	vmul.f32 v37, v12;
	v7 =	vadd.f32 v59, v7;
	v63 =	vmul.f32 v32, v32;
	v22 =	vld.idx.msk [tilespmem:v42+s24+$0x0], $0xffff  }
0x1f2: {  	v37 =	vld.idx.msk [tilespmem:v6+s23+$0x0], $0xffff;
	v42 =	vmul.f32 v24, v24;
	v10 =	vadd.f32 v61, v18;
	v9 =	vadd.f32 v60, v9  }
0x1f3: {  	v48 =	vmul.f32 v34, v34;
	v7 =	vadd.f32 v62, v7;
	v45 =	vmul.f32 v43, v13;
	v18 =	vld.idx.msk [tilespmem:v19+s24+$0x0], $0xffff  }
0x1f4: {  	v6 =	vld.idx.msk [tilespmem:v6+s24+$0x0], $0xffff;
	v49 =	vmul.f32 v23, v23;
	v10 =	vadd.f32 v42, v10;
	v9 =	vadd.f32 v63, v9  }
0x1f5: {  	v51 =	vmul.f32 v38, v38;
	v50 =	vmul.f32 v33, v14;
	v7 =	vadd.f32 v45, v7;
	v19 =	vld.idx.msk [tilespmem:v5+s23+$0x0], $0xffff  }
0x1f6: {  	v14 =	vld.idx.msk [tilespmem:v4+s23+$0x0], $0xffff;
	v52 =	vmul.f32 v22, v22;
	v10 =	vadd.f32 v49, v10;
	v9 =	vadd.f32 v48, v9  }
0x1f7: {  	v53 =	vmul.f32 v36, v15;
	v54 =	vmul.f32 v37, v37;
	v5 =	vld.idx.msk [tilespmem:v5+s24+$0x0], $0xffff;
	v7 =	vadd.f32 v50, v7  }
0x1f8: {  	v4 =	vld.idx.msk [tilespmem:v4+s24+$0x0], $0xffff;
	v55 =	vmul.f32 v18, v18;
	v10 =	vadd.f32 v52, v10;
	v9 =	vadd.f32 v51, v9  }
0x1f9: {  	v15 =	vld.idx.msk [tilespmem:v3+s23+$0x0], $0xffff;
	v56 =	vmul.f32 v40, v16;
	v58 =	vmul.f32 v6, v6;
	v7 =	vadd.f32 v53, v7  }
0x1fa: {  	v3 =	vld.idx.msk [tilespmem:v3+s24+$0x0], $0xffff;
	v57 =	vmul.f32 v19, v19;
	v10 =	vadd.f32 v55, v10;
	v9 =	vadd.f32 v54, v9  }
0x1fb: {  	v16 =	vld.idx.msk [tilespmem:v2+s23+$0x0], $0xffff;
	v59 =	vmul.f32 v41, v17;
	v60 =	vmul.f32 v14, v14;
	v7 =	vadd.f32 v56, v7  }
0x1fc: {  	v61 =	vmul.f32 v5, v5;
	v10 =	vadd.f32 v58, v10;
	v9 =	vadd.f32 v57, v9  }
0x1fd: {  	v2 =	vld.idx.msk [tilespmem:v2+s24+$0x0], $0xffff;
	v62 =	vmul.f32 v44, v20;
	v13 =	vmul.f32 v4, v4;
	v7 =	vadd.f32 v59, v7  }
0x1fe: {  	v63 =	vmul.f32 v15, v15;
	v10 =	vadd.f32 v61, v10;
	v9 =	vadd.f32 v60, v9  }
0x1ff: {  	v1 =	vmul.f32 v46, v1;
	v20 =	vmul.f32 v3, v3;
	v7 =	vadd.f32 v62, v7  }
0x200: {  	v17 =	vmul.f32 v16, v16;
	v10 =	vadd.f32 v13, v10;
	v9 =	vadd.f32 v63, v9  }
0x201: {  	v33 =	vmul.f32 v47, v21;
	v1 =	vadd.f32 v1, v7  }
0x202: {  	v36 =	vmul.f32 v2, v2;
	v10 =	vadd.f32 v20, v10;
	v8 =	vadd.f32 v17, v9  }
0x203: {  	v39 =	vmul.f32 v39, v27;
	v1 =	vadd.f32 v33, v1  }
0x204: {  	v9 =	vadd.f32 v36, v10;
	v40 =	vshra.s32 v8, $0x1;
	v8 =	vmul.f32 $5.000000000e-01, v8  }
0x205: {  	v41 =	vmul.f32 v35, v28;
	v1 =	vadd.f32 v39, v1;
	v10 =	vsub.s32 $0x5F3759DF, v40  }
0x206: {  	v43 =	vshra.s32 v9, $0x1;
	v9 =	vmul.f32 $5.000000000e-01, v9;
	v42 =	vmul.f32 v10, v8  }
0x207: {  	v44 =	vmul.f32 v26, v29;
	v1 =	vadd.f32 v41, v1;
	v12 =	vsub.s32 $0x5F3759DF, v43  }
0x208: {  	v45 =	vmul.f32 v12, v9;
	v11 =	vmul.f32 v10, v42  }
0x209: {  	v46 =	vmul.f32 v25, v30;
	v1 =	vadd.f32 v44, v1  }
0x20a: {  	v13 =	vmul.f32 v12, v45;
	v11 =	vsub.f32 $1.500000000e+00, v11  }
0x20b: {  	v47 =	vmul.f32 v24, v31;
	v1 =	vadd.f32 v46, v1  }
0x20c: {  	v48 =	vsub.f32 $1.500000000e+00, v13;
	v10 =	vmul.f32 v10, v11  }
0x20d: {  	v49 =	vmul.f32 v23, v32;
	v1 =	vadd.f32 v47, v1  }
0x20e: {  	v11 =	vmul.f32 v12, v48;
	v50 =	vmul.f32 v10, v8  }
0x20f: {  	v51 =	vmul.f32 v22, v34;
	v1 =	vadd.f32 v49, v1  }
0x210: {  	v53 =	vmul.f32 v11, v9;
	v52 =	vmul.f32 v50, v10  }
0x211: {  	v54 =	vmul.f32 v18, v38;
	v1 =	vadd.f32 v51, v1  }
0x212: {  	v13 =	vmul.f32 v53, v11;
	v12 =	vsub.f32 $1.500000000e+00, v52  }
0x213: {  	v6 =	vmul.f32 v6, v37;
	v1 =	vadd.f32 v54, v1  }
0x214: {  	v56 =	vsub.f32 $1.500000000e+00, v13;
	v55 =	vmul.f32 v12, v10  }
0x215: {  	v5 =	vmul.f32 v5, v19;
	v1 =	vadd.f32 v6, v1  }
0x216: {  	v58 =	vmul.f32 v56, v11;
	v57 =	vmul.f32 v55, v8  }
0x217: {  	v4 =	vmul.f32 v4, v14;
	v1 =	vadd.f32 v5, v1  }
0x218: {  	v60 =	vmul.f32 v58, v9;
	v59 =	vmul.f32 v57, v55  }
0x219: {  	v3 =	vmul.f32 v3, v15;
	v1 =	vadd.f32 v4, v1  }
0x21a: {  	v62 =	vmul.f32 v60, v58;
	v61 =	vsub.f32 $1.500000000e+00, v59  }
0x21b: {  	v2 =	vmul.f32 v2, v16;
	v1 =	vadd.f32 v3, v1  }
0x21c: {  	v63 =	vsub.f32 $1.500000000e+00, v62;
	v3 =	vmul.f32 v61, v55  }
0x21d: {  	v1 =	vadd.f32 v2, v1  }
0x21e: {  	v2 =	vmin.f32 v3, $1.000000000e+00;
	v3 =	vmul.f32 v63, v58  }
0x21f: {  	v1 =	vmul.f32 v2, v1  }
0x220: {  	v2 =	vmin.f32 v3, $1.000000000e+00  }
0x221: {  	v1 =	vmul.f32 v2, v1;
	_ =	sdelay $0x1  }
0x222: {  	v1 =	vsub.f32 $0.0e+00, v1;
	_ =	sdelay $0x1  }
0x223: {  	v1 =	vmul.f32 $1.442695020e+00, v1;
	_ =	sdelay $0x1  }
0x224: {  	(erf) = vpow2.f32 v1;
	_ =	sdelay $0x8  }
0x225: {  	v1 =	vpop (erf)  }
0x226: {  	v1 =	vadd.f32 $1.000000000e+00, v1;
	_ =	sdelay $0x1  }
0x227: {  	(erf) = vrcp.f32 v1;
	_ =	sdelay $0x7  }
0x228: {  	s25 =	sadd.s32 $0x1, s25  }
0x229: {  	p0 =	sne.s32 s25, s14;
	s26 =	sadd.s32 $0x10, s26;
	v1 =	vpop (erf)  }
.Ltmp1:
0x22a: {  	[tilespmem:s26+$0x0] =	vst v1;
	(pc) =	sbr.rel @p0 .LBB2_1-.Ltmp1, $4  }
0x22b: {  	[hbm4b:s13+s1] =	stream.linear.scatter [tilespmem:s2], [sflag:$0x2], $0x200, $0x38;
	[tilespmem:$0x8600] =	vst v63  }
0x22c: {  	_ =	swait.ge [sflag:s15], $0x200  }
0x22d: {  	[sflag:s15] =	ssyncset.done $0x0  }
0x22e: {  	[sflag:s15] =	ssyncadd.s32 $0xFFFFFE00  }
0x22f: {  	_ =	sfence.sel $0x180000  }
0x230: {  	[bflag:$0x0] =	sbarrier.arrive $0xFFFF  }
0x231: {  	_ =	strace $0x9000004D  }
0x232: {  	s0 =	stileid.u32;
	[bflag:$0x2] =	sbarrier.arrive $0xFFFF  }
0x233: {  	p0 =	sne.s32 s0, $0x0;
	s0 =	rddreg [dreg:$0x4]  }
0x234: {  	s0 =	sadd.s32 @!p0 $0x100000, s0  }
0x235: {  	[sflag:s0] =	ssyncadd.tile.s32 @!p0 $0x1;
	_ =	shalt  }
.Lfunc_end2:
_tile_overlayer_lowered:
.L_overlay_start_2:
0x236: {  	(tag) =	ssettag $0x2  }
0x237: {  	s0 =	rddreg [dreg:$0x0];
	s2 =	stileid.u32  }
0x238: {  	s1 =	rddreg [dreg:$0x1];
	p0 =	sne.s32 s2, $0x0  }
0x239: {  	s3 =	rddreg [dreg:$0x2];
	[bflag:$0x3] =	sbarrier.arrive $0xFFFF;
	s2 =	simm.s32 @!p0 $0x1C02  }
0x23a: {  	[timem:s3], [sflag:s2] =	dma.local @!p0 [hbm:s0], s1  }
0x23b: {  	s0 =	simm.s32 @!p0 $0x2  }
0x23c: {  	_ =	swait.ge @!p0 [sflag:s0], s1  }
0x23d: {  	s1 =	ssub.s32 @!p0 $0x0, s1;
	[sflag:s0] =	ssyncset.done @!p0 $0x0  }
0x23e: {  	[sflag:s0] =	ssyncadd.s32 @!p0 s1  }
0x23f: {  	[bflag:$0x3] =	sbarrier.arrive $0xFFFF  }
0x240: {  	_ =	shalt  }

// kernel: sparse-core-data-format-call.1.cloned.1.call-start
scs
called_computation.1_lowered:
.L_overlay_start_0:
0x0: {  	s2 =	sld [smem:$0x3FD9]  }
0x1: {  	s3 =	sld [smem:$0x3FFE];
	_ =	sdelay $0x1  }
0x2: {  	s1 =	srdreg.scid  }
0x3: {  	s0 =	sand.u32 $0x1, s1  }
0x4: {  	s18 =	sshll.u32 s0, $0xA;
	s2 =	sadd.s32 s3, s2  }
0x5: {  	s2 =	sadd.s32 s2, s18  }
0x6: {  	[smem:$0x3FC4] =	sst s2  }
0x7: {  	_ = 	snop  }
0x8: {  	(tm) =	ssettm $0x1  }
0x9: {  	s19 =	sld [smem:$0x3FFB];
	_ =	sdelay $0x3  }
0xa: {  	_ =	strace s19  }
0xb: {  	s2 =	sld [smem:$0x3FFC];
	_ =	sdelay $0x3  }
0xc: {  	_ =	strace s2  }
0xd: {  	s2 =	sld [smem:$0x3FFD];
	_ =	sdelay $0x3  }
0xe: {  	_ =	strace s2  }
0xf: {  	_ =	strace $0x8FFFFFFF  }
0x10: {  	s20 =	sld [smem:$0x3FDB];
	_ =	sdelay $0x1  }
0x11: {  	s21 =	simm.s32 $_scs_section_size  }
0x12: {  	s4 =	simm.s32 $_size__tile_overlayer_lowered;
	s5 =	simm.s32 $_tile_overlayer_lowered  }
0x13: {  	s6 =	simm.s32 $0x1BFF;
	s22 =	sshll.u32 s5, $0x1;
	s3 =	sadd.s32 s21, s20  }
0x14: {  	s23 =	simm.s32 $0x0;
	s4 =	sshll.u32 s4, $0x1;
	s5 =	sadd.s32 s22, s3  }
0x15: {  	[timem:s23], [sflag:s6] =	dma.local [hbm:s5], s4  }
0x16: {  	_ =	swait.ge [sflag:s6], s4  }
0x17: {  	s4 =	ssub.s32 $0x0, s4;
	[sflag:s6] =	ssyncset.done $0x0  }
0x18: {  	[sflag:s6] =	ssyncadd.s32 s4;
	_ =	sdelay $0x1  }
0x19: {  	s24 =	simm.s32 $0x1B8B  }
0x1a: {  	_ =	swait.ge [sflag:s24], $0x1  }
0x1b: {  	[sflag:s24] =	ssyncset.done $0x0  }
0x1c: {  	[sflag:s24] =	ssyncadd.s32 $0xFFFFFFFF  }
0x1d: {  	s4 =	sld [smem:$0x0]  }
0x1e: {  	s5 =	sand.u32 $0xFFFFFFFE, s1  }
0x1f: {  	p0 =	sne.s32 s1, s5  }
0x20: {  	s5 =	sshll.u32 @p0 s5, $0xE  }
0x21: {  	s5 =	sadd.s32 @p0 $0x11B8D, s5;
	s6 =	sshll.u32 @p0 s4, $0x11  }
0x22: {  	s5 =	sor.u32 @p0 s6, s5  }
0x23: {  	[sflag:s5] =	ssyncadd.remote.s32 @p0 $0x1;
	_ =	sdelay $0x1  }
0x24: {  	s5 =	simm.s32 @p0 $0x1B8D  }
0x25: {  	_ =	swait.eq @p0 [sflag:s5], $0x1  }
0x26: {  	[sflag:s5] =	ssyncadd.s32 @p0 $0xFFFFFFFF  }
0x27: {  	s6 =	sshll.u32 @!p0 s1, $0xE  }
0x28: {  	s6 =	sor.u32 @!p0 $0x4000, s6;
	s5 =	simm.s32 @!p0 $0x1B8D  }
0x29: {  	s4 =	sshll.u32 @!p0 s4, $0x11;
	s6 =	sadd.s32 @!p0 $0x11B8D, s6;
	_ =	swait.eq @!p0 [sflag:s5], $0x1  }
0x2a: {  	s4 =	sor.u32 @!p0 s4, s6;
	[sflag:s5] =	ssyncadd.s32 @!p0 $0xFFFFFFFF  }
0x2b: {  	s26 =	simm.s32 $0x1B8E;
	s25 =	sld [smem:$0x3FFE];
	[sflag:s4] =	ssyncadd.remote.s32 @!p0 $0x1  }
0x2c: {  	s27 =	simm.s32 $execute0_lowered;
	[smem:$0x3FD2] =	sst s26  }
0x2d: {  	s5 =	sshll.u32 s27, $0x1;
	_ =	strace $0x80000049;
	[dreg:$0x1] =	wrdreg $0xFFFFFFFF  }
0x2e: {  	s28 =	simm.s32 $_size_execute0_lowered;
	s3 =	sadd.s32 s3, s5;
	[dreg:$0x0] =	wrdreg $0x0  }
0x2f: {  	s5 =	sshll.u32 s28, $0x1;
	[dreg:$0x2] =	wrdreg s3  }
0x30: {  	[dreg:$0x3] =	wrdreg s5  }
0x31: {  	[dreg:$0x4] =	wrdreg $0xC0  }
0x32: {  	_ =	task [dreg:s23], $0x5FFFF  }
0x33: {  	[dreg:$0x1] =	wrdreg $0xFFFFFFFF  }
0x34: {  	[dreg:$0x0] =	wrdreg $0x60  }
0x35: {  	[dreg:$0x2] =	wrdreg s25  }
0x36: {  	[dreg:$0x3] =	wrdreg $0xA  }
0x37: {  	_ =	task.clear_ibuf [dreg:s23], $0x4FFFF;
	_ =	strace $0x90000049  }
0x38: {  	s29 =	simm.s32 $0xA;
	_ =	strace $0x8000004B  }
0x39: {  	_ =	swait.ge [sflag:s29], $0x1  }
0x3a: {  	[sflag:s29] =	ssyncadd.s32 $0xFFFFFFFF  }
0x3b: {  	_ =	strace $0x9000004B  }
0x3c: {  	_ =	sfence  }
0x3d: {  	s30 =	sld [smem:$0x0];
	_ =	sdelay $0x2  }
0x3e: {  	s31 =	sshll.u32 s1, $0xD;
	s1 =	sshrl.u32 s1, $0x2  }
0x3f: {  	s4 =	sand.u32 $0x4000, s31;
	s1 =	sadd.s32 s1, s30  }
0x40: {  	s0 =	sor.u32 s4, s0;
	s1 =	sshll.u32 s1, $0x11  }
0x41: {  	s0 =	sor.u32 s1, s0  }
0x42: {  	s0 =	sadd.s32 $0x8F2B, s0  }
0x43: {  	[sflag:s0] =	ssyncadd.remote.s32 $0x1  }
0x44: {  	_ =	sfence.sel $0xFFFF  }
0x45: {  	[dreg:$0x0] =	wrdreg $0xFFFFFFFF;
	(pc) =	sbr.abs _section_cstart, $3  }
0x46: {  	[dreg:$0x1] =	wrdreg $0xFFFFFFFF  }
0x47: {  	_ =	task.clear_ibuf [dreg:s23], $0x2FFFF;
	_ =	strace $0x9FFFFFFF  }
0x48: {  	(tm) =	ssettm $0x7FFFFFFF  }
0x49: {  	_ =	shalt  }
tec
execute0_lowered:
.L_overlay_start_1:
0x0: {  	(tag) =	ssettag $0x1  }
0x1: {  	s0 =	srdreg.scid  }
0x2: {  	s5 =	rddreg [dreg:$0x0];
	s1 =	stileid.u32;
	s4 =	simm.s32 $0x1  }
0x3: {  	s6 =	simm.s32 $0x2;
	s15 =	simm.s32 $0x0;
	p0 =	por $0x0, $0x0  }
0x4: {  	s8 =	simm.s32 $0x80;
	s14 =	simm.s32 $0x0;
	s2 =	sshll.u32 s0, $0x4  }
0x5: {  	s9 =	simm.s32 $0x0;
	s10 =	simm.s32 $0x0;
	s2 =	sand.u32 $0x10, s2  }
.Ltmp0:
0x6: {  	s12 =	simm.s32 $0x0;
	s3 =	sor.u32 s1, s2;
	(pc) =	sbr.rel .LBB1_1-.Ltmp0, $4  }
0x7: {  	s0 =	rddreg [dreg:$0x1];
	_ =	strace $0x8000004A;
	s3 =	sshll.u32 s3, $0x7  }
0x8: {  	s13 =	simm.s32 $0x0;
	[sflag:s4] =	ssyncpa.u1 $0x0;
	s7 =	ssub.s32 $0xF4200, s3  }
0x9: {  	s2 =	sadd.s32 $0x98A400, s5;
	[sflag:s6] =	ssyncpa.u1 $0x0;
	s6 =	sshrl.u32 s7, $0xC  }
0xa: {  	s5 =	sadd.s32 $0xB72A00, s5;
	s11 =	smov.u32 s3;
	s7 =	sadd.s32 $0x2, s6  }
.LBB1_5:
0xb: {  	p1 =	slt.u32 s13, $0x2  }
0xc: {  	s17 =	smov.u32 s15;
	p2 =	sgt.s32 @!p1 s15, $0xF41C0;
	s16 =	sshra.s32 @!p1 s15, $0x1F  }
0xd: {  	p3 =	sgt.s32 @!p1 s14, $0x60;
	s18 =	sshra.s32 @!p1 s14, $0x1F;
	p2 =	por !p2, p1  }
0xe: {  	s15 =	sand.u32 @!p1 s16, s15;
	p3 =	por !p3, p1;
	s16 =	smov.u32 s14  }
0xf: {  	s14 =	sand.u32 @!p1 s18, s14;
	s17 =	simm.s32 @p2 $0xF41C0;
	s16 =	simm.s32 @p3 $0x60  }
0x10: {  	s15 =	ssub.s32 @!p1 s17, s15;
	s14 =	ssub.s32 @!p1 s16, s14  }
0x11: {  	s18 =	smov.u32 s12;
	s16 =	sadd.s32 @!p1 $0xFFF0BE40, s15;
	s17 =	sadd.s32 @!p1 $0xFFFFFFA0, s14  }
0x12: {  	s15 =	ssub.s32 @!p1 $0xF4240, s15;
	p2 =	sgt.s32 @!p1 s16, $0x7F;
	p3 =	sgt.s32 @!p1 s17, $0x1F  }
0x13: {  	s14 =	ssub.s32 @!p1 $0x80, s14;
	p2 =	por !p2, p1;
	p3 =	por !p3, p1  }
0x14: {  	s16 =	sadd.s32 $0x1000, s11;
	s15 =	simm.s32 @!p2 $0x0;
	s14 =	simm.s32 @!p3 $0x0  }
0x15: {  	p2 =	sgt.s32 s16, $0xF423F;
	s14 =	smul.u32 @!p1 s14, s15;
	s15 =	sadd.s32 $0x20, s12  }
0x16: {  	s18 =	smov.u32 @p2 s15  }
0x17: {  	s16 =	smov.u32 @p2 s3;
	p2 =	sgt.s32 s18, $0x1F  }
0x18: {  	p0 =	por !p0, !p0;
	s18 =	simm.s32 @p2 $0x0;
	p2 =	sne.s32 s13, s7  }
.Ltmp1:
0x19: {  	s17 =	simm.s32 @!p1 $0x2;
	s14 =	sshrl.u32 @!p1 s14, $0x1;
	(pc) =	sbr.rel @!p2 .LBB1_6-.Ltmp1, $4  }
0x1a: {  	s15 =	smov.u32 s9;
	s9 =	smov.u32 s11;
	s14 =	sand.u32 @!p1 $0x3FFFFFFF, s14  }
0x1b: {  	s11 =	smov.u32 s16;
	s13 =	sadd.s32 $0x1, s13;
	_ =	swait.ge @!p1 [sflag:s17], s14  }
0x1c: {  	s19 =	ssub.s32 @!p1 $0x0, s14;
	s14 =	smov.u32 s10;
	[sflag:s17] =	ssyncset.done @!p1 $0x0  }
0x1d: {  	s10 =	smov.u32 s12;
	s12 =	smov.u32 s18;
	[sflag:s17] =	ssyncadd.s32 @!p1 s19  }
.LBB1_1:
0x1e: {  	p1 =	sgt.u32 s13, s6  }
0x1f: {  	s16 =	sshrl.u32 @!p1 s12, $0x3  }
0x20: {  	s17 =	sshll.u32 @!p1 s11, $0x3;
	s16 =	smul.u32 @!p1 $0x7A1400, s16  }
0x21: {  	s18 =	sshll.u32 @!p1 s12, $0x7;
	s17 =	sand.u32 @!p1 $0xFFFFFC00, s17  }
0x22: {  	s16 =	sadd.s32 @!p1 s16, s17;
	s17 =	sand.u32 @!p1 $0x300, s18;
	s18 =	sshll.u32 @!p1 s11, $0x1  }
0x23: {  	s16 =	sor.u32 @!p1 s17, s16;
	s17 =	sand.u32 @!p1 $0xFE, s18  }
0x24: {  	s18 =	sand.u32 @!p1 $0x1, s12;
	s16 =	sor.u32 @!p1 s17, s16  }
0x25: {  	s17 =	sor.u32 @!p1 s18, s16  }
0x26: {  	s18 =	smulhi.u32 @!p1 $0x218D6287, s17;
	_ =	sdelay $0x1  }
0x27: {  	s16 =	smulhi.u32 @!p1 $0x218D6287, s16;
	s18 =	sshrl.u32 @!p1 s18, $0x11  }
0x28: {  	s18 =	smul.u32 @!p1 $0xF4280, s18  }
0x29: {  	s16 =	sshrl.u32 @!p1 s16, $0x11  }
0x2a: {  	s16 =	sand.u32 @!p1 $0x1F, s16;
	s17 =	ssub.s32 @!p1 s17, s18  }
0x2b: {  	s16 =	smul.u32 @!p1 $0xF428, s16;
	s18 =	sshrl.u32 @!p1 s17, $0x4  }
0x2c: {  	s19 =	sxor.u32 @!p1 $0xFFFFFFFF, s13;
	s17 =	sshll.u32 @!p1 s17, $0x11;
	s18 =	sadd.s32 @!p1 s2, s18  }
0x2d: {  	s17 =	sand.u32 @!p1 $0x1C0000, s17;
	s16 =	sadd.s32 @!p1 s16, s18;
	s18 =	sshll.u32 @!p1 s19, $0xB  }
0x2e: {  	s17 =	sor.u32 @!p1 $0x200, s17;
	s19 =	simm.s32 @!p1 $0x3D0A00;
	s18 =	sand.u32 @!p1 $0x800, s18  }
0x2f: {  	[tilespmem:s18], [sflag:$0x1] =	stream.strided.gather @!p1 [hbm4b:s16+s17], $0x800, s19, s17, $0x38;
	[tilespmem:$0x2080] =	vst v63  }
0x30: {  	p1 =	seq.s32 s13, $0x0  }
0x31: {  	p2 =	sge.u32 @!p1 s13, s7  }
0x32: {  	p1 =	por p1, p2  }
.Ltmp2:
0x33: {  	_ = 	snop;
	(pc) =	sbr.rel @p1 .LBB1_5-.Ltmp2, $1  }
0x34: {  	_ =	sdelay $0x3  }
0x35: {  	s16 =	simm.s32 $0x1  }
0x36: {  	_ =	swait.ge [sflag:s4], $0x800;
	s16 =	simm.s32 @!p0 $0x0  }
0x37: {  	[sflag:s4] =	ssyncset.done $0x0;
	s16 =	sshll.u32 s16, $0xB  }
0x38: {  	[sflag:s4] =	ssyncadd.s32 $0xFFFFF800;
	s16 =	sor.u32 $0x40, s16  }
0x39: {  	v0 =	vld [tilespmem:s16+$0x20]  }
0x3a: {  	v1 =	vld [tilespmem:s16+$0x30]  }
0x3b: {  	v2 =	vld [tilespmem:s16+$0xFFFFFFD0]  }
0x3c: {  	v5 =	vld [tilespmem:s16+$0x0]  }
0x3d: {  	v6 =	vld [tilespmem:s16+$0x10]  }
0x3e: {  	s17 =	sand.u32 $0x1, s13;
	v3 =	vld [tilespmem:s16+$0xFFFFFFE0]  }
0x3f: {  	s17 =	smul.u32 $0x2100, s17;
	v4 =	vld [tilespmem:s16+$0xFFFFFFF0]  }
0x40: {  	s18 =	simm.s32 $0x0;
	v1 =	vperm.xlane.i2c.b16 v1  }
0x41: {  	s19 =	sand.u32 $0x1C, s18;
	s17 =	sshrl.u32 s17, $0x2;
	v8 =	vld [tilespmem:s16+$0xFFFFFFC0];
	s20 =	sadd.s32 $0x80, s16;
	v7 =	vperm.xlane.i2c.b16 v0;
	v0 =	vperm.xlane.i2c.b16 v2  }
0x42: {  	s30 =	sand.u32 $0x20, s18;
	s31 =	sshrl.u32 s19, $0x1;
	s16 =	sor.u32 $0x1000, s17;
	v11 =	vld [tilespmem:s20+$0x30];
	v10 =	vperm.xlane.i2c.b16 v5;
	v13 =	vperm.xlane.i2c.b16 v6  }
0x43: {  	s17 =	sshrl.u32 s30, $0x1;
	s18 =	sadd.s32 s31, s16;
	v2 =	vld [tilespmem:s20+$0x20];
	v3 =	vperm.xlane.i2c.b16 v3;
	v9 =	vcombine.low v7, v1  }
0x44: {  	v12 =	vld [tilespmem:s20+$0xFFFFFFD0];
	s17 =	sadd.s32 s17, s18;
	v4 =	vperm.xlane.i2c.b16 v4;
	v14 =	vcombine.low v10, v13  }
0x45: {  	v1 =	vcombine.high v7, v1;
	v7 =	vld [tilespmem:s20+$0xFFFFFFE0];
	[tilespmem:s17+$0x630 ss:$0x21] =	vst.msk $0xffff, v9  }
0x46: {  	v6 =	vld [tilespmem:s20+$0xFFFFFFF0];
	v5 =	vperm.xlane.i2c.b16 v8;
	v9 =	vcombine.low v3, v4;
	[tilespmem:s17+$0x420 ss:$0x21] =	vst.msk $0xffff, v14  }
0x47: {  	s18 =	simm.s32 $0x4;
	v8 =	vperm.xlane.i2c.b16 v11;
	[tilespmem:s17+$0x631 ss:$0x21] =	vst.msk $0xffff, v1;
	v1 =	vcombine.high v3, v4;
	v4 =	vld [tilespmem:s20+$0x0]  }
0x48: {  	s19 =	simm.s32 $0x2;
	s22 =	sand.u32 $0x1C, s18;
	v10 =	vcombine.high v10, v13;
	v3 =	vld [tilespmem:s20+$0x10];
	[tilespmem:s17+$0x210 ss:$0x21] =	vst.msk $0xffff, v9;
	v9 =	vperm.xlane.i2c.b16 v2  }
0x49: {  	s21 =	sand.u32 $0x20, s18;
	s22 =	sshrl.u32 s22, $0x1;
	v11 =	vcombine.low v5, v0;
	v2 =	vld [tilespmem:s20+$0xFFFFFFC0];
	s20 =	sadd.s32 $0x80, s20;
	[tilespmem:s17+$0x211 ss:$0x21] =	vst.msk $0xffff, v1;
	v1 =	vperm.xlane.i2c.b16 v12  }
.LBB1_3:
0x4a: {  	v12 =	vld [tilespmem:s20+$0x20];
	s22 =	sadd.s32 s22, s16;
	s21 =	sshrl.u32 s21, $0x1;
	v13 =	vperm.xlane.i2c.b16 v7;
	v7 =	vcombine.low v9, v8;
	[tilespmem:s17+$0x421 ss:$0x21] =	vst.msk $0xffff, v10  }
0x4b: {  	s19 =	sadd.s32 $0x2, s19;
	v14 =	vld [tilespmem:s20+$0x30];
	s21 =	sadd.s32 s21, s22;
	v10 =	vperm.xlane.i2c.b16 v6;
	v6 =	vcombine.high v9, v8;
	[tilespmem:s17+$0x0 ss:$0x21] =	vst.msk $0xffff, v11  }
0x4c: {  	p1 =	slt.u32 s19, $0x1E;
	v11 =	vld [tilespmem:s20+$0xFFFFFFD0];
	v8 =	vperm.xlane.i2c.b16 v4;
	[tilespmem:s21+$0x630 ss:$0x21] =	vst.msk $0xffff, v7;
	v4 =	vcombine.high v5, v0;
	v0 =	vmov v1  }
.Ltmp3:
0x4d: {  	v7 =	vld [tilespmem:s20+$0xFFFFFFE0];
	v1 =	vcombine.low v13, v10;
	v3 =	vperm.xlane.i2c.b16 v3;
	[tilespmem:s21+$0x631 ss:$0x21] =	vst.msk $0xffff, v6;
	(pc) =	sbr.rel @p1 .LBB1_3-.Ltmp3, $4  }
0x4e: {  	v6 =	vld [tilespmem:s20+$0xFFFFFFF0];
	v5 =	vperm.xlane.i2c.b16 v2;
	v2 =	vcombine.high v13, v10;
	[tilespmem:s17+$0x1 ss:$0x21] =	vst.msk $0xffff, v4;
	s17 =	smov.u32 s21  }
0x4f: {  	s18 =	sadd.s32 $0x4, s18;
	v4 =	vld [tilespmem:s20+$0x0];
	[tilespmem:s17+$0x210 ss:$0x21] =	vst.msk $0xffff, v1;
	v13 =	vcombine.low v8, v3;
	v10 =	vcombine.high v8, v3  }
0x50: {  	s22 =	sand.u32 $0x1C, s18;
	v9 =	vperm.xlane.i2c.b16 v12;
	v3 =	vld [tilespmem:s20+$0x10];
	v8 =	vperm.xlane.i2c.b16 v14;
	[tilespmem:s17+$0x211 ss:$0x21] =	vst.msk $0xffff, v2  }
0x51: {  	s22 =	sshrl.u32 s22, $0x1;
	s21 =	sand.u32 $0x20, s18;
	v2 =	vld [tilespmem:s20+$0xFFFFFFC0];
	v1 =	vperm.xlane.i2c.b16 v11;
	s20 =	sadd.s32 $0x80, s20;
	v11 =	vcombine.low v5, v0;
	[tilespmem:s17+$0x420 ss:$0x21] =	vst.msk $0xffff, v13  }
0x52: {  	s18 =	sadd.s32 s22, s16;
	s19 =	sshll.u32 s9, $0x7;
	s20 =	sshll.u32 s10, $0x3  }
0x53: {  	s21 =	sshrl.u32 s21, $0x1;
	s24 =	sshll.u32 s10, $0x1;
	p1 =	sgt.s32 s9, $0xF41C0  }
0x54: {  	s22 =	smov.u32 s9;
	s26 =	sshra.s32 s9, $0x1F;
	s23 =	sand.u32 $0xFFFFFC00, s19  }
0x55: {  	s20 =	sand.u32 $0xFFFFFC00, s20;
	s19 =	sand.u32 $0x300, s19;
	s25 =	sand.u32 $0x80, s24  }
0x56: {  	s18 =	sadd.s32 s21, s18;
	s22 =	simm.s32 @!p1 $0xF41C0;
	p1 =	sgt.s32 s10, $0x60  }
0x57: {  	s21 =	smov.u32 s10;
	s20 =	sadd.s32 s20, s23;
	s23 =	sshra.s32 s10, $0x1F  }
0x58: {  	s21 =	simm.s32 @!p1 $0x60;
	s19 =	sor.u32 s19, s20;
	s20 =	sand.u32 s26, s9  }
0x59: {  	v7 =	vperm.xlane.i2c.b16 v7;
	[tilespmem:s17+$0x421 ss:$0x21] =	vst.msk $0xffff, v10;
	v0 =	vcombine.high v5, v0;
	s23 =	sand.u32 s23, s10;
	s19 =	sor.u32 s25, s19;
	s20 =	ssub.s32 s22, s20  }
0x5a: {  	v57 =	vcombine.low v9, v8;
	v6 =	vperm.xlane.i2c.b16 v6;
	[tilespmem:s17+$0x0 ss:$0x21] =	vst.msk $0xffff, v11;
	s21 =	ssub.s32 s21, s23;
	s19 =	sshrl.u32 s19, $0x7;
	s22 =	sadd.s32 $0xFFF0BE40, s20  }
0x5b: {  	v58 =	vcombine.high v9, v8;
	v4 =	vperm.xlane.i2c.b16 v4;
	[tilespmem:s17+$0x1 ss:$0x21] =	vst.msk $0xffff, v0;
	s23 =	sadd.s32 $0xFFFFFFA0, s21;
	s20 =	ssub.s32 $0xF4240, s20;
	s21 =	ssub.s32 $0x80, s21  }
0x5c: {  	[tilespmem:s18+$0x630 ss:$0x21] =	vst.msk $0xffff, v57;
	v59 =	vcombine.low v7, v6;
	v3 =	vperm.xlane.i2c.b16 v3;
	s27 =	smulhi.u32 $0x218DEF5, s19;
	p1 =	sgt.s32 s22, $0x7F;
	p2 =	sgt.s32 s23, $0x1F  }
0x5d: {  	[tilespmem:s18+$0x631 ss:$0x21] =	vst.msk $0xffff, v58;
	v60 =	vcombine.high v7, v6;
	s20 =	simm.s32 @p1 $0x0;
	s21 =	simm.s32 @p2 $0x0  }
0x5e: {  	v2 =	vperm.xlane.i2c.b16 v2;
	[tilespmem:s18+$0x210 ss:$0x21] =	vst.msk $0xffff, v59;
	v61 =	vcombine.low v4, v3;
	s17 =	sshrl.u32 s27, $0xD;
	s20 =	smul.u32 s21, s20  }
0x5f: {  	v3 =	vcombine.high v4, v3;
	[tilespmem:s18+$0x211 ss:$0x21] =	vst.msk $0xffff, v60;
	s17 =	smul.u32 $0xF4240, s17  }
.Ltmp4:
0x60: {  	s28 =	sshrl.u32 s10, $0x3;
	s29 =	sand.u32 $0x7, s10;
	v62 =	vcombine.low v2, v1;
	[tilespmem:s18+$0x420 ss:$0x21] =	vst.msk $0xffff, v61;
	(pc) =	sbr.rel .LBB1_5-.Ltmp4, $4  }
0x61: {  	v63 =	vcombine.high v2, v1;
	[tilespmem:s18+$0x421 ss:$0x21] =	vst.msk $0xffff, v3;
	s21 =	sshll.u32 s29, $0x12;
	s17 =	ssub.s32 s19, s17;
	s19 =	sand.u32 $0x7, s28  }
0x62: {  	[tilespmem:s18+$0x0 ss:$0x21] =	vst.msk $0xffff, v62;
	s20 =	sshrl.u32 s20, $0x1;
	s17 =	sshll.u32 s17, $0x3;
	s19 =	sadd.s32 s5, s19  }
0x63: {  	[tilespmem:s18+$0x1 ss:$0x21] =	vst.msk $0xffff, v63;
	s31 =	sor.u32 $0x20, s21;
	s30 =	sand.u32 $0x3FFFFFFF, s20;
	s17 =	sadd.s32 s17, s19  }
0x64: {  	[hbm4b:s17+s31] =	stream.strided.scatter [tilespmem:s16], [sflag:$0x2], s30, s8, s31, $0x10;
	[tilespmem:$0x2080] =	vst v63  }
.LBB1_6:
0x65: {  	_ =	sfence.sel $0x180000  }
0x66: {  	s2 =	simm.s32 $0x1;
	[bflag:$0x0] =	sbarrier.arrive $0xFFFF  }
0x67: {  	s31 =	simm.s32 $0x2;
	[sflag:s2] =	ssyncpa.u1 $0x1  }
0x68: {  	[sflag:s31] =	ssyncpa.u1 $0x1  }
0x69: {  	p0 =	sne.s32 s1, $0x0;
	_ =	strace $0x9000004A  }
0x6a: {  	s0 =	sadd.s32 @!p0 $0x100000, s0;
	[bflag:$0x2] =	sbarrier.arrive $0xFFFF  }
0x6b: {  	[sflag:s0] =	ssyncadd.tile.s32 @!p0 $0x1;
	_ =	shalt  }
.Lfunc_end1:
_tile_overlayer_lowered:
.L_overlay_start_2:
0x6c: {  	(tag) =	ssettag $0x2  }
0x6d: {  	s0 =	rddreg [dreg:$0x0];
	s2 =	stileid.u32  }
0x6e: {  	s1 =	rddreg [dreg:$0x1];
	p0 =	sne.s32 s2, $0x0  }
0x6f: {  	s3 =	rddreg [dreg:$0x2];
	[bflag:$0x3] =	sbarrier.arrive $0xFFFF;
	s2 =	simm.s32 @!p0 $0x1C01  }
0x70: {  	[timem:s3], [sflag:s2] =	dma.local @!p0 [hbm:s0], s1  }
0x71: {  	s0 =	simm.s32 @!p0 $0x1  }
0x72: {  	_ =	swait.ge @!p0 [sflag:s0], s1  }
0x73: {  	s1 =	ssub.s32 @!p0 $0x0, s1;
	[sflag:s0] =	ssyncset.done @!p0 $0x0  }
0x74: {  	[sflag:s0] =	ssyncadd.s32 @!p0 s1  }
0x75: {  	[bflag:$0x3] =	sbarrier.arrive $0xFFFF  }
0x76: {  	_ =	shalt  }

// kernel: sparse-core-data-format-call.cloned.1.call-start
scs
called_computation_lowered:
.L_overlay_start_0:
0x0: {  	s1 =	sld [smem:$0x3FD9]  }
0x1: {  	s2 =	sld [smem:$0x3FFE];
	_ =	sdelay $0x1  }
0x2: {  	s3 =	srdreg.scid  }
0x3: {  	s0 =	sand.u32 $0x1, s3  }
0x4: {  	s17 =	sshll.u32 s0, $0xA;
	s1 =	sadd.s32 s2, s1  }
0x5: {  	s1 =	sadd.s32 s1, s17  }
0x6: {  	[smem:$0x3FC4] =	sst s1  }
0x7: {  	_ = 	snop  }
0x8: {  	(tm) =	ssettm $0x1  }
0x9: {  	s18 =	sld [smem:$0x3FFB];
	_ =	sdelay $0x3  }
0xa: {  	_ =	strace s18  }
0xb: {  	s1 =	sld [smem:$0x3FFC];
	_ =	sdelay $0x3  }
0xc: {  	_ =	strace s1  }
0xd: {  	s1 =	sld [smem:$0x3FFD];
	_ =	sdelay $0x3  }
0xe: {  	_ =	strace s1  }
0xf: {  	_ =	strace $0x8FFFFFFF  }
0x10: {  	s19 =	sld [smem:$0x3FDB];
	_ =	sdelay $0x1  }
0x11: {  	s20 =	simm.s32 $_scs_section_size  }
0x12: {  	s4 =	simm.s32 $_size__tile_overlayer_lowered;
	s5 =	simm.s32 $_tile_overlayer_lowered  }
0x13: {  	s23 =	simm.s32 $0x1BFF;
	s22 =	sshll.u32 s5, $0x1;
	s1 =	sadd.s32 s20, s19  }
0x14: {  	s6 =	simm.s32 $0x0;
	s21 =	sshll.u32 s4, $0x1;
	s4 =	sadd.s32 s22, s1  }
0x15: {  	[timem:s6], [sflag:s23] =	dma.local [hbm:s4], s21  }
0x16: {  	_ =	swait.ge [sflag:s23], s21  }
0x17: {  	s2 =	ssub.s32 $0x0, s21;
	[sflag:s23] =	ssyncset.done $0x0  }
0x18: {  	[sflag:s23] =	ssyncadd.s32 s2;
	_ =	sdelay $0x1  }
0x19: {  	s24 =	simm.s32 $0x1B8B  }
0x1a: {  	_ =	swait.ge [sflag:s24], $0x1  }
0x1b: {  	[sflag:s24] =	ssyncset.done $0x0  }
0x1c: {  	s26 =	simm.s32 $0x1B8E;
	s25 =	sld [smem:$0x3FFE];
	[sflag:s24] =	ssyncadd.s32 $0xFFFFFFFF  }
0x1d: {  	s27 =	simm.s32 $execute0_lowered;
	[smem:$0x3FD2] =	sst s26  }
0x1e: {  	s4 =	sshll.u32 s27, $0x1;
	_ =	strace $0x80000046;
	[dreg:$0x1] =	wrdreg $0xFFFFFFFF  }
0x1f: {  	s28 =	simm.s32 $_size_execute0_lowered;
	s1 =	sadd.s32 s1, s4;
	[dreg:$0x0] =	wrdreg $0x0  }
0x20: {  	s4 =	sshll.u32 s28, $0x1;
	[dreg:$0x2] =	wrdreg s1  }
0x21: {  	[dreg:$0x3] =	wrdreg s4  }
0x22: {  	[dreg:$0x4] =	wrdreg $0xC0  }
0x23: {  	_ =	task [dreg:s6], $0x5FFFF  }
0x24: {  	[dreg:$0x1] =	wrdreg $0xFFFFFFFF  }
0x25: {  	[dreg:$0x0] =	wrdreg $0x60  }
0x26: {  	[dreg:$0x2] =	wrdreg s25  }
0x27: {  	[dreg:$0x3] =	wrdreg $0x9  }
0x28: {  	_ =	task.clear_ibuf [dreg:s6], $0x4FFFF;
	_ =	strace $0x90000046  }
0x29: {  	s29 =	simm.s32 $0x9;
	_ =	strace $0x80000048  }
0x2a: {  	_ =	swait.ge [sflag:s29], $0x1  }
0x2b: {  	[sflag:s29] =	ssyncadd.s32 $0xFFFFFFFF  }
0x2c: {  	_ =	strace $0x90000048  }
0x2d: {  	_ =	sfence  }
0x2e: {  	s30 =	sld [smem:$0x0];
	_ =	sdelay $0x2  }
0x2f: {  	s31 =	sshll.u32 s3, $0xD;
	s3 =	sshrl.u32 s3, $0x2  }
0x30: {  	s2 =	sand.u32 $0x4000, s31;
	s1 =	sadd.s32 s3, s30  }
0x31: {  	s0 =	sor.u32 s2, s0;
	s1 =	sshll.u32 s1, $0x11  }
0x32: {  	s0 =	sor.u32 s1, s0  }
0x33: {  	s0 =	sadd.s32 $0x8F2B, s0  }
0x34: {  	[sflag:s0] =	ssyncadd.remote.s32 $0x1  }
0x35: {  	_ =	sfence.sel $0xFFFF  }
0x36: {  	[dreg:$0x0] =	wrdreg $0xFFFFFFFF;
	(pc) =	sbr.abs _section_cstart, $3  }
0x37: {  	[dreg:$0x1] =	wrdreg $0xFFFFFFFF  }
0x38: {  	_ =	task.clear_ibuf [dreg:s6], $0x2FFFF;
	_ =	strace $0x9FFFFFFF  }
0x39: {  	(tm) =	ssettm $0x7FFFFFFF  }
tec
execute0_lowered:
.L_overlay_start_1:
0x0: {  	(tag) =	ssettag $0x1  }
0x1: {  	s0 =	srdreg.scid  }
0x2: {  	s5 =	rddreg [dreg:$0x0];
	s1 =	stileid.u32;
	s4 =	simm.s32 $0x1  }
0x3: {  	s6 =	simm.s32 $0x2;
	s15 =	simm.s32 $0x0;
	p0 =	por $0x0, $0x0  }
0x4: {  	s8 =	simm.s32 $0x80;
	s14 =	simm.s32 $0x0;
	s2 =	sshll.u32 s0, $0x4  }
0x5: {  	s9 =	simm.s32 $0x0;
	s10 =	simm.s32 $0x0;
	s2 =	sand.u32 $0x10, s2  }
.Ltmp0:
0x6: {  	s12 =	simm.s32 $0x0;
	s3 =	sor.u32 s1, s2;
	(pc) =	sbr.rel .LBB1_1-.Ltmp0, $4  }
0x7: {  	s0 =	rddreg [dreg:$0x1];
	_ =	strace $0x80000047;
	s3 =	sshll.u32 s3, $0x7  }
0x8: {  	s13 =	simm.s32 $0x0;
	[sflag:s4] =	ssyncpa.u1 $0x0;
	s7 =	ssub.s32 $0xF4200, s3  }
0x9: {  	s2 =	sadd.s32 $0xC00, s5;
	[sflag:s6] =	ssyncpa.u1 $0x0;
	s6 =	sshrl.u32 s7, $0xC  }
0xa: {  	s5 =	sadd.s32 $0x1E9200, s5;
	s11 =	smov.u32 s3;
	s7 =	sadd.s32 $0x2, s6  }
.LBB1_5:
0xb: {  	p1 =	slt.u32 s13, $0x2  }
0xc: {  	s17 =	smov.u32 s15;
	p2 =	sgt.s32 @!p1 s15, $0xF41C0;
	s16 =	sshra.s32 @!p1 s15, $0x1F  }
0xd: {  	p3 =	sgt.s32 @!p1 s14, $0x60;
	s18 =	sshra.s32 @!p1 s14, $0x1F;
	p2 =	por !p2, p1  }
0xe: {  	s15 =	sand.u32 @!p1 s16, s15;
	p3 =	por !p3, p1;
	s16 =	smov.u32 s14  }
0xf: {  	s14 =	sand.u32 @!p1 s18, s14;
	s17 =	simm.s32 @p2 $0xF41C0;
	s16 =	simm.s32 @p3 $0x60  }
0x10: {  	s15 =	ssub.s32 @!p1 s17, s15;
	s14 =	ssub.s32 @!p1 s16, s14  }
0x11: {  	s18 =	smov.u32 s12;
	s16 =	sadd.s32 @!p1 $0xFFF0BE40, s15;
	s17 =	sadd.s32 @!p1 $0xFFFFFFA0, s14  }
0x12: {  	s15 =	ssub.s32 @!p1 $0xF4240, s15;
	p2 =	sgt.s32 @!p1 s16, $0x7F;
	p3 =	sgt.s32 @!p1 s17, $0x1F  }
0x13: {  	s14 =	ssub.s32 @!p1 $0x80, s14;
	p2 =	por !p2, p1;
	p3 =	por !p3, p1  }
0x14: {  	s16 =	sadd.s32 $0x1000, s11;
	s15 =	simm.s32 @!p2 $0x0;
	s14 =	simm.s32 @!p3 $0x0  }
0x15: {  	p2 =	sgt.s32 s16, $0xF423F;
	s14 =	smul.u32 @!p1 s14, s15;
	s15 =	sadd.s32 $0x20, s12  }
0x16: {  	s18 =	smov.u32 @p2 s15  }
0x17: {  	s16 =	smov.u32 @p2 s3;
	p2 =	sgt.s32 s18, $0x1F  }
0x18: {  	p0 =	por !p0, !p0;
	s18 =	simm.s32 @p2 $0x0;
	p2 =	sne.s32 s13, s7  }
.Ltmp1:
0x19: {  	s17 =	simm.s32 @!p1 $0x2;
	s14 =	sshrl.u32 @!p1 s14, $0x1;
	(pc) =	sbr.rel @!p2 .LBB1_6-.Ltmp1, $4  }
0x1a: {  	s15 =	smov.u32 s9;
	s9 =	smov.u32 s11;
	s14 =	sand.u32 @!p1 $0x3FFFFFFF, s14  }
0x1b: {  	s11 =	smov.u32 s16;
	s13 =	sadd.s32 $0x1, s13;
	_ =	swait.ge @!p1 [sflag:s17], s14  }
0x1c: {  	s19 =	ssub.s32 @!p1 $0x0, s14;
	s14 =	smov.u32 s10;
	[sflag:s17] =	ssyncset.done @!p1 $0x0  }
0x1d: {  	s10 =	smov.u32 s12;
	s12 =	smov.u32 s18;
	[sflag:s17] =	ssyncadd.s32 @!p1 s19  }
.LBB1_1:
0x1e: {  	p1 =	sgt.u32 s13, s6  }
0x1f: {  	s16 =	sshrl.u32 @!p1 s12, $0x3  }
0x20: {  	s17 =	sshll.u32 @!p1 s11, $0x3;
	s16 =	smul.u32 @!p1 $0x7A1400, s16  }
0x21: {  	s18 =	sshll.u32 @!p1 s12, $0x7;
	s17 =	sand.u32 @!p1 $0xFFFFFC00, s17  }
0x22: {  	s16 =	sadd.s32 @!p1 s16, s17;
	s17 =	sand.u32 @!p1 $0x300, s18;
	s18 =	sshll.u32 @!p1 s11, $0x1  }
0x23: {  	s16 =	sor.u32 @!p1 s17, s16;
	s17 =	sand.u32 @!p1 $0xFE, s18  }
0x24: {  	s18 =	sand.u32 @!p1 $0x1, s12;
	s16 =	sor.u32 @!p1 s17, s16  }
0x25: {  	s17 =	sor.u32 @!p1 s18, s16  }
0x26: {  	s18 =	smulhi.u32 @!p1 $0x218D6287, s17;
	_ =	sdelay $0x1  }
0x27: {  	s16 =	smulhi.u32 @!p1 $0x218D6287, s16;
	s18 =	sshrl.u32 @!p1 s18, $0x11  }
0x28: {  	s18 =	smul.u32 @!p1 $0xF4280, s18  }
0x29: {  	s16 =	sshrl.u32 @!p1 s16, $0x11  }
0x2a: {  	s16 =	sand.u32 @!p1 $0x1F, s16;
	s17 =	ssub.s32 @!p1 s17, s18  }
0x2b: {  	s16 =	smul.u32 @!p1 $0xF428, s16;
	s18 =	sshrl.u32 @!p1 s17, $0x4  }
0x2c: {  	s19 =	sxor.u32 @!p1 $0xFFFFFFFF, s13;
	s17 =	sshll.u32 @!p1 s17, $0x11;
	s18 =	sadd.s32 @!p1 s2, s18  }
0x2d: {  	s17 =	sand.u32 @!p1 $0x1C0000, s17;
	s16 =	sadd.s32 @!p1 s16, s18;
	s18 =	sshll.u32 @!p1 s19, $0xB  }
0x2e: {  	s17 =	sor.u32 @!p1 $0x200, s17;
	s19 =	simm.s32 @!p1 $0x3D0A00;
	s18 =	sand.u32 @!p1 $0x800, s18  }
0x2f: {  	[tilespmem:s18], [sflag:$0x1] =	stream.strided.gather @!p1 [hbm4b:s16+s17], $0x800, s19, s17, $0x38;
	[tilespmem:$0x2080] =	vst v63  }
0x30: {  	p1 =	seq.s32 s13, $0x0  }
0x31: {  	p2 =	sge.u32 @!p1 s13, s7  }
0x32: {  	p1 =	por p1, p2  }
.Ltmp2:
0x33: {  	_ = 	snop;
	(pc) =	sbr.rel @p1 .LBB1_5-.Ltmp2, $1  }
0x34: {  	_ =	sdelay $0x3  }
0x35: {  	s16 =	simm.s32 $0x1  }
0x36: {  	_ =	swait.ge [sflag:s4], $0x800;
	s16 =	simm.s32 @!p0 $0x0  }
0x37: {  	[sflag:s4] =	ssyncset.done $0x0;
	s16 =	sshll.u32 s16, $0xB  }
0x38: {  	[sflag:s4] =	ssyncadd.s32 $0xFFFFF800;
	s16 =	sor.u32 $0x40, s16  }
0x39: {  	v0 =	vld [tilespmem:s16+$0x20]  }
0x3a: {  	v1 =	vld [tilespmem:s16+$0x30]  }
0x3b: {  	v2 =	vld [tilespmem:s16+$0xFFFFFFD0]  }
0x3c: {  	v5 =	vld [tilespmem:s16+$0x0]  }
0x3d: {  	v6 =	vld [tilespmem:s16+$0x10]  }
0x3e: {  	s17 =	sand.u32 $0x1, s13;
	v3 =	vld [tilespmem:s16+$0xFFFFFFE0]  }
0x3f: {  	s17 =	smul.u32 $0x2100, s17;
	v4 =	vld [tilespmem:s16+$0xFFFFFFF0]  }
0x40: {  	s18 =	simm.s32 $0x0;
	v1 =	vperm.xlane.i2c.b16 v1  }
0x41: {  	s19 =	sand.u32 $0x1C, s18;
	s17 =	sshrl.u32 s17, $0x2;
	v8 =	vld [tilespmem:s16+$0xFFFFFFC0];
	s20 =	sadd.s32 $0x80, s16;
	v7 =	vperm.xlane.i2c.b16 v0;
	v0 =	vperm.xlane.i2c.b16 v2  }
0x42: {  	s30 =	sand.u32 $0x20, s18;
	s31 =	sshrl.u32 s19, $0x1;
	s16 =	sor.u32 $0x1000, s17;
	v11 =	vld [tilespmem:s20+$0x30];
	v10 =	vperm.xlane.i2c.b16 v5;
	v13 =	vperm.xlane.i2c.b16 v6  }
0x43: {  	s17 =	sshrl.u32 s30, $0x1;
	s18 =	sadd.s32 s31, s16;
	v2 =	vld [tilespmem:s20+$0x20];
	v3 =	vperm.xlane.i2c.b16 v3;
	v9 =	vcombine.low v7, v1  }
0x44: {  	v12 =	vld [tilespmem:s20+$0xFFFFFFD0];
	s17 =	sadd.s32 s17, s18;
	v4 =	vperm.xlane.i2c.b16 v4;
	v14 =	vcombine.low v10, v13  }
0x45: {  	v1 =	vcombine.high v7, v1;
	v7 =	vld [tilespmem:s20+$0xFFFFFFE0];
	[tilespmem:s17+$0x630 ss:$0x21] =	vst.msk $0xffff, v9  }
0x46: {  	v6 =	vld [tilespmem:s20+$0xFFFFFFF0];
	v5 =	vperm.xlane.i2c.b16 v8;
	v9 =	vcombine.low v3, v4;
	[tilespmem:s17+$0x420 ss:$0x21] =	vst.msk $0xffff, v14  }
0x47: {  	s18 =	simm.s32 $0x4;
	v8 =	vperm.xlane.i2c.b16 v11;
	[tilespmem:s17+$0x631 ss:$0x21] =	vst.msk $0xffff, v1;
	v1 =	vcombine.high v3, v4;
	v4 =	vld [tilespmem:s20+$0x0]  }
0x48: {  	s19 =	simm.s32 $0x2;
	s22 =	sand.u32 $0x1C, s18;
	v10 =	vcombine.high v10, v13;
	v3 =	vld [tilespmem:s20+$0x10];
	[tilespmem:s17+$0x210 ss:$0x21] =	vst.msk $0xffff, v9;
	v9 =	vperm.xlane.i2c.b16 v2  }
0x49: {  	s21 =	sand.u32 $0x20, s18;
	s22 =	sshrl.u32 s22, $0x1;
	v11 =	vcombine.low v5, v0;
	v2 =	vld [tilespmem:s20+$0xFFFFFFC0];
	s20 =	sadd.s32 $0x80, s20;
	[tilespmem:s17+$0x211 ss:$0x21] =	vst.msk $0xffff, v1;
	v1 =	vperm.xlane.i2c.b16 v12  }
.LBB1_3:
0x4a: {  	v12 =	vld [tilespmem:s20+$0x20];
	s22 =	sadd.s32 s22, s16;
	s21 =	sshrl.u32 s21, $0x1;
	v13 =	vperm.xlane.i2c.b16 v7;
	v7 =	vcombine.low v9, v8;
	[tilespmem:s17+$0x421 ss:$0x21] =	vst.msk $0xffff, v10  }
0x4b: {  	s19 =	sadd.s32 $0x2, s19;
	v14 =	vld [tilespmem:s20+$0x30];
	s21 =	sadd.s32 s21, s22;
	v10 =	vperm.xlane.i2c.b16 v6;
	v6 =	vcombine.high v9, v8;
	[tilespmem:s17+$0x0 ss:$0x21] =	vst.msk $0xffff, v11  }
0x4c: {  	p1 =	slt.u32 s19, $0x1E;
	v11 =	vld [tilespmem:s20+$0xFFFFFFD0];
	v8 =	vperm.xlane.i2c.b16 v4;
	[tilespmem:s21+$0x630 ss:$0x21] =	vst.msk $0xffff, v7;
	v4 =	vcombine.high v5, v0;
	v0 =	vmov v1  }
.Ltmp3:
0x4d: {  	v7 =	vld [tilespmem:s20+$0xFFFFFFE0];
	v1 =	vcombine.low v13, v10;
	v3 =	vperm.xlane.i2c.b16 v3;
	[tilespmem:s21+$0x631 ss:$0x21] =	vst.msk $0xffff, v6;
	(pc) =	sbr.rel @p1 .LBB1_3-.Ltmp3, $4  }
0x4e: {  	v6 =	vld [tilespmem:s20+$0xFFFFFFF0];
	v5 =	vperm.xlane.i2c.b16 v2;
	v2 =	vcombine.high v13, v10;
	[tilespmem:s17+$0x1 ss:$0x21] =	vst.msk $0xffff, v4;
	s17 =	smov.u32 s21  }
0x4f: {  	s18 =	sadd.s32 $0x4, s18;
	v4 =	vld [tilespmem:s20+$0x0];
	[tilespmem:s17+$0x210 ss:$0x21] =	vst.msk $0xffff, v1;
	v13 =	vcombine.low v8, v3;
	v10 =	vcombine.high v8, v3  }
0x50: {  	s22 =	sand.u32 $0x1C, s18;
	v9 =	vperm.xlane.i2c.b16 v12;
	v3 =	vld [tilespmem:s20+$0x10];
	v8 =	vperm.xlane.i2c.b16 v14;
	[tilespmem:s17+$0x211 ss:$0x21] =	vst.msk $0xffff, v2  }
0x51: {  	s22 =	sshrl.u32 s22, $0x1;
	s21 =	sand.u32 $0x20, s18;
	v2 =	vld [tilespmem:s20+$0xFFFFFFC0];
	v1 =	vperm.xlane.i2c.b16 v11;
	s20 =	sadd.s32 $0x80, s20;
	v11 =	vcombine.low v5, v0;
	[tilespmem:s17+$0x420 ss:$0x21] =	vst.msk $0xffff, v13  }
0x52: {  	s18 =	sadd.s32 s22, s16;
	s19 =	sshll.u32 s9, $0x7;
	s20 =	sshll.u32 s10, $0x3  }
0x53: {  	s21 =	sshrl.u32 s21, $0x1;
	s24 =	sshll.u32 s10, $0x1;
	p1 =	sgt.s32 s9, $0xF41C0  }
0x54: {  	s22 =	smov.u32 s9;
	s26 =	sshra.s32 s9, $0x1F;
	s23 =	sand.u32 $0xFFFFFC00, s19  }
0x55: {  	s20 =	sand.u32 $0xFFFFFC00, s20;
	s19 =	sand.u32 $0x300, s19;
	s25 =	sand.u32 $0x80, s24  }
0x56: {  	s18 =	sadd.s32 s21, s18;
	s22 =	simm.s32 @!p1 $0xF41C0;
	p1 =	sgt.s32 s10, $0x60  }
0x57: {  	s21 =	smov.u32 s10;
	s20 =	sadd.s32 s20, s23;
	s23 =	sshra.s32 s10, $0x1F  }
0x58: {  	s21 =	simm.s32 @!p1 $0x60;
	s19 =	sor.u32 s19, s20;
	s20 =	sand.u32 s26, s9  }
0x59: {  	v7 =	vperm.xlane.i2c.b16 v7;
	[tilespmem:s17+$0x421 ss:$0x21] =	vst.msk $0xffff, v10;
	v0 =	vcombine.high v5, v0;
	s23 =	sand.u32 s23, s10;
	s19 =	sor.u32 s25, s19;
	s20 =	ssub.s32 s22, s20  }
0x5a: {  	v57 =	vcombine.low v9, v8;
	v6 =	vperm.xlane.i2c.b16 v6;
	[tilespmem:s17+$0x0 ss:$0x21] =	vst.msk $0xffff, v11;
	s21 =	ssub.s32 s21, s23;
	s19 =	sshrl.u32 s19, $0x7;
	s22 =	sadd.s32 $0xFFF0BE40, s20  }
0x5b: {  	v58 =	vcombine.high v9, v8;
	v4 =	vperm.xlane.i2c.b16 v4;
	[tilespmem:s17+$0x1 ss:$0x21] =	vst.msk $0xffff, v0;
	s23 =	sadd.s32 $0xFFFFFFA0, s21;
	s20 =	ssub.s32 $0xF4240, s20;
	s21 =	ssub.s32 $0x80, s21  }
0x5c: {  	[tilespmem:s18+$0x630 ss:$0x21] =	vst.msk $0xffff, v57;
	v59 =	vcombine.low v7, v6;
	v3 =	vperm.xlane.i2c.b16 v3;
	s27 =	smulhi.u32 $0x218DEF5, s19;
	p1 =	sgt.s32 s22, $0x7F;
	p2 =	sgt.s32 s23, $0x1F  }
0x5d: {  	[tilespmem:s18+$0x631 ss:$0x21] =	vst.msk $0xffff, v58;
	v60 =	vcombine.high v7, v6;
	s20 =	simm.s32 @p1 $0x0;
	s21 =	simm.s32 @p2 $0x0  }
0x5e: {  	v2 =	vperm.xlane.i2c.b16 v2;
	[tilespmem:s18+$0x210 ss:$0x21] =	vst.msk $0xffff, v59;
	v61 =	vcombine.low v4, v3;
	s17 =	sshrl.u32 s27, $0xD;
	s20 =	smul.u32 s21, s20  }
0x5f: {  	v3 =	vcombine.high v4, v3;
	[tilespmem:s18+$0x211 ss:$0x21] =	vst.msk $0xffff, v60;
	s17 =	smul.u32 $0xF4240, s17  }
.Ltmp4:
0x60: {  	s28 =	sshrl.u32 s10, $0x3;
	s29 =	sand.u32 $0x7, s10;
	v62 =	vcombine.low v2, v1;
	[tilespmem:s18+$0x420 ss:$0x21] =	vst.msk $0xffff, v61;
	(pc) =	sbr.rel .LBB1_5-.Ltmp4, $4  }
0x61: {  	v63 =	vcombine.high v2, v1;
	[tilespmem:s18+$0x421 ss:$0x21] =	vst.msk $0xffff, v3;
	s21 =	sshll.u32 s29, $0x12;
	s17 =	ssub.s32 s19, s17;
	s19 =	sand.u32 $0x7, s28  }
0x62: {  	[tilespmem:s18+$0x0 ss:$0x21] =	vst.msk $0xffff, v62;
	s20 =	sshrl.u32 s20, $0x1;
	s17 =	sshll.u32 s17, $0x3;
	s19 =	sadd.s32 s5, s19  }
0x63: {  	[tilespmem:s18+$0x1 ss:$0x21] =	vst.msk $0xffff, v63;
	s31 =	sor.u32 $0x20, s21;
	s30 =	sand.u32 $0x3FFFFFFF, s20;
	s17 =	sadd.s32 s17, s19  }
0x64: {  	[hbm4b:s17+s31] =	stream.strided.scatter [tilespmem:s16], [sflag:$0x2], s30, s8, s31, $0x10;
	[tilespmem:$0x2080] =	vst v63  }
.LBB1_6:
0x65: {  	_ =	sfence.sel $0x180000  }
0x66: {  	s2 =	simm.s32 $0x1;
	[bflag:$0x0] =	sbarrier.arrive $0xFFFF  }
0x67: {  	s31 =	simm.s32 $0x2;
	[sflag:s2] =	ssyncpa.u1 $0x1  }
0x68: {  	[sflag:s31] =	ssyncpa.u1 $0x1  }
0x69: {  	p0 =	sne.s32 s1, $0x0;
	_ =	strace $0x90000047  }
0x6a: {  	s0 =	sadd.s32 @!p0 $0x100000, s0;
	[bflag:$0x2] =	sbarrier.arrive $0xFFFF  }
0x6b: {  	[sflag:s0] =	ssyncadd.tile.s32 @!p0 $0x1;
	_ =	shalt  }
.Lfunc_end1:
_tile_overlayer_lowered:
.L_overlay_start_2:
0x6c: {  	(tag) =	ssettag $0x2  }
0x6d: {  	s0 =	rddreg [dreg:$0x0];
	s2 =	stileid.u32  }
0x6e: {  	s1 =	rddreg [dreg:$0x1];
	p0 =	sne.s32 s2, $0x0  }
0x6f: {  	s3 =	rddreg [dreg:$0x2];
	[bflag:$0x3] =	sbarrier.arrive $0xFFFF;
	s2 =	simm.s32 @!p0 $0x1C01  }
0x70: {  	[timem:s3], [sflag:s2] =	dma.local @!p0 [hbm:s0], s1  }
0x71: {  	s0 =	simm.s32 @!p0 $0x1  }
0x72: {  	_ =	swait.ge @!p0 [sflag:s0], s1  }
0x73: {  	s1 =	ssub.s32 @!p0 $0x0, s1;
	[sflag:s0] =	ssyncset.done @!p0 $0x0  }
0x74: {  	[sflag:s0] =	ssyncadd.s32 @!p0 s1  }
0x75: {  	[bflag:$0x3] =	sbarrier.arrive $0xFFFF  }
0x76: {  	_ =	shalt  }

</sc_bundles>
